<compile_context>
chip_gen: v7x
topology: tpu7x:2x2x1
jax: 0.10.2.dev20260603
libtpu: 0.0.44.dev20260713+nightly
codegen_flags: <defaults>
</compile_context>

<pallas_src>
import jax
import jax.numpy as jnp
from jax import lax
from jax.experimental import pallas as pl
from jax.experimental.pallas import tpu as pltpu
from jax.experimental.pallas import tpu_sc as plsc

N = 10000
E = 160000
D = 128
MD = 16

CHUNK = 128
NW = 32
EPT = E // NW
BATCH = 1024
BATCHES = [(0, 1024), (1024, 1024), (2048, 1024), (3072, 1024), (4096, 904)]
N_PAD = 10240
STRIPE = N_PAD // 16


def _sc_body(ev_d, ix_d, ev_s, ix_s, aggd, aggs,
             data_a, sidx_a, data_b, sidx_b, sem_ia, sem_da, sem_ib, sem_db,
             idx_v, buf_v, accd_sh, accs_sh):
    c = lax.axis_index("c")
    s = lax.axis_index("s")
    wid = s * 2 + c

    def zrow(i, _):
        buf_v[i] = jnp.zeros((MD,), jnp.float32)
        return _
    lax.fori_loop(0, CHUNK, zrow, 0)

    def stripe_idx(k):
        def widx(t, _):
            idx_v[pl.ds(t * 16, 16)] = (s * STRIPE + k * CHUNK + t * 16
                                        + lax.iota(jnp.int32, 16))
            return _
        lax.fori_loop(0, CHUNK // 16, widx, 0)

    def zstripe(k, _):
        stripe_idx(k)
        pltpu.sync_copy(buf_v, accd_sh.at[idx_v])
        pltpu.sync_copy(buf_v, accs_sh.at[idx_v])
        return _
    lax.fori_loop(0, STRIPE // CHUNK, zstripe, 0)
    plsc.subcore_barrier()

    eb = wid * EPT
    evs = (ev_d, ev_s)
    ixs = (ix_d, ix_s)
    accs = (accd_sh, accs_sh)
    tasks = [(d, off, sz) for d in (0, 1) for off, sz in BATCHES]
    slots = ((data_a, sidx_a, sem_ia, sem_da), (data_b, sidx_b, sem_ib, sem_db))
    pend = [None, None]

    def start(t, slot):
        d, off, sz = tasks[t]
        data_v, sidx_v, sem_i, sem_d = slots[slot]
        ci = pltpu.async_copy(ixs[d].at[pl.ds(E + eb + off, sz)],
                              sidx_v.at[pl.ds(0, sz)], sem_i)
        cd = pltpu.async_copy(evs[d].at[pl.ds(eb + off, sz)],
                              data_v.at[pl.ds(0, sz)], sem_d)
        pend[slot] = (ci, cd)

    start(0, 0)
    for t in range(len(tasks)):
        if t + 1 < len(tasks):
            start(t + 1, (t + 1) % 2)
        ci, cd = pend[t % 2]
        ci.wait()
        cd.wait()
        d, off, sz = tasks[t]
        data_v, sidx_v, _, _ = slots[t % 2]
        pltpu.sync_copy(data_v.at[pl.ds(0, sz)],
                        accs[d].at[sidx_v.at[pl.ds(0, sz)]], add=True)
    plsc.subcore_barrier()

    def gstripe(k, _):
        stripe_idx(k)
        row0 = s * STRIPE + k * CHUNK
        pltpu.sync_copy(accd_sh.at[idx_v], buf_v)
        pltpu.sync_copy(buf_v, aggd.at[c, pl.ds(row0, CHUNK)])
        pltpu.sync_copy(accs_sh.at[idx_v], buf_v)
        pltpu.sync_copy(buf_v, aggs.at[c, pl.ds(row0, CHUNK)])
        return _
    lax.fori_loop(0, STRIPE // CHUNK, gstripe, 0)


def _sc_segsum(ev_d, ix_d, ev_s, ix_s):
    mesh = plsc.VectorSubcoreMesh(core_axis_name="c", subcore_axis_name="s",
                                  num_cores=2, num_subcores=16)
    f = pl.kernel(
        _sc_body,
        out_type=(
            jax.ShapeDtypeStruct((2, N_PAD, MD), jnp.float32),
            jax.ShapeDtypeStruct((2, N_PAD, MD), jnp.float32),
        ),
        mesh=mesh,
        compiler_params=pltpu.CompilerParams(use_tc_tiling_on_sc=False),
        scratch_types=[
            pltpu.VMEM((BATCH, MD), jnp.float32),
            pltpu.VMEM((BATCH,), jnp.int32),
            pltpu.VMEM((BATCH, MD), jnp.float32),
            pltpu.VMEM((BATCH,), jnp.int32),
            pltpu.SemaphoreType.DMA,
            pltpu.SemaphoreType.DMA,
            pltpu.SemaphoreType.DMA,
            pltpu.SemaphoreType.DMA,
            pltpu.VMEM((CHUNK,), jnp.int32),
            pltpu.VMEM((CHUNK, MD), jnp.float32),
            pltpu.VMEM_SHARED((N_PAD, MD), jnp.float32),
            pltpu.VMEM_SHARED((N_PAD, MD), jnp.float32),
        ],
    )
    return f(ev_d, ix_d, ev_s, ix_s)


def _dense_body(src_ref, dst_ref, aggs_ref, aggd_ref,
                W_src_ref, b_src_ref, W_dst_ref, b_dst_ref,
                W_smsg_ref, W_dmsg_ref,
                W_ln_r_ref, b_ln_r_ref, g_r_ref, beta_r_ref, W_row_ref, b_row_ref,
                W_ln_c_ref, b_ln_c_ref, g_c_ref, beta_c_ref, W_col_ref, b_col_ref,
                row_ref, col_ref):
    def side(feat, agg, W_node, b_node, W_msg, W_ln, b_ln, g, beta, W_tail, b_tail):
        h = jnp.dot(feat, W_node, preferred_element_type=jnp.float32) + b_node
        o = h * jnp.dot(agg, W_msg, preferred_element_type=jnp.float32)
        y = jnp.dot(o, W_ln, preferred_element_type=jnp.float32) + b_ln
        mu = jnp.mean(y, axis=-1, keepdims=True)
        yc = y - mu
        var = jnp.mean(yc * yc, axis=-1, keepdims=True)
        ln = yc * lax.rsqrt(var + 1e-5) * g + beta
        return feat + jnp.dot(ln, W_tail, preferred_element_type=jnp.float32) + b_tail

    src = src_ref[...]
    dst = dst_ref[...]
    agg_s = aggs_ref[0] + aggs_ref[1]
    agg_d = aggd_ref[0] + aggd_ref[1]
    row_ref[...] = side(src, agg_s, W_src_ref[...], b_src_ref[...],
                        W_dmsg_ref[...], W_ln_r_ref[...], b_ln_r_ref[...],
                        g_r_ref[...], beta_r_ref[...], W_row_ref[...], b_row_ref[...])
    col_ref[...] = side(dst, agg_d, W_dst_ref[...], b_dst_ref[...],
                        W_smsg_ref[...], W_ln_c_ref[...], b_ln_c_ref[...],
                        g_c_ref[...], beta_c_ref[...], W_col_ref[...], b_col_ref[...])


def _dense(src_feat, dst_feat, agg_s, agg_d, *weights):
    R = 1000
    grid = (N // R,)
    rows = pl.BlockSpec((R, D), lambda i: (i, 0))
    aggb = pl.BlockSpec((2, R, MD), lambda i: (0, i, 0))
    mat = pl.BlockSpec((D, D), lambda i: (0, 0))
    vec = pl.BlockSpec((1, D), lambda i: (0, 0))
    msg = pl.BlockSpec((MD, D), lambda i: (0, 0))
    w_specs = [mat, vec, mat, vec, msg, msg,
               mat, vec, vec, vec, mat, vec,
               mat, vec, vec, vec, mat, vec]
    return pl.pallas_call(
        _dense_body,
        grid=grid,
        in_specs=[rows, rows, aggb, aggb] + w_specs,
        out_specs=[rows, rows],
        out_shape=[
            jax.ShapeDtypeStruct((N, D), jnp.float32),
            jax.ShapeDtypeStruct((N, D), jnp.float32),
        ],
        compiler_params=pltpu.CompilerParams(
            dimension_semantics=("parallel",),
        ),
    )(src_feat, dst_feat, agg_s, agg_d, *weights)


def kernel(src_feat, dst_feat, edge_v_s2d, edge_v_d2s, edge_index_s2d, edge_index_d2s,
           W_src, b_src, W_dst, b_dst, W_smsg, b_smsg, W_dmsg, b_dmsg,
           W_ln_r, b_ln_r, g_r, beta_r, W_row, b_row,
           W_ln_c, b_ln_c, g_c, beta_c, W_col, b_col):
    ix_d = jnp.asarray(edge_index_s2d, jnp.int32).reshape(-1)
    ix_s = jnp.asarray(edge_index_d2s, jnp.int32).reshape(-1)
    agg_d, agg_s = _sc_segsum(edge_v_s2d, ix_d, edge_v_d2s, ix_s)
    r = lambda v: jnp.reshape(v, (1, D))
    row_embed, col_embed = _dense(
        src_feat, dst_feat, agg_s, agg_d,
        W_src, r(b_src), W_dst, r(b_dst), W_smsg, W_dmsg,
        W_ln_r, r(b_ln_r), r(g_r), r(beta_r), W_row, r(b_row),
        W_ln_c, r(b_ln_c), r(g_c), r(beta_c), W_col, r(b_col))
    return (row_embed, col_embed)

# --- scband reference (transcript-rebuilt; emitter-appended) ---
"""Pipeline reference for scband-node-edge-conv-19232863552107 (READ-ONLY COPY).

The authoritative reference and input builder live on the scoring server;
editing this copy changes nothing except your own understanding.
"""

import jax, jax.numpy as jnp
import numpy as np

N_SRC = 10000
N_DST = 10000
E = 160000
D = 128
MD = 16


def _ln(x, W, b, g, beta):
    y = x @ W + b
    mu = jnp.mean(y, axis=-1, keepdims=True)
    var = jnp.var(y, axis=-1, keepdims=True)
    return (y - mu) / jnp.sqrt(var + 1e-5) * g + beta


def setup_inputs(seed: int = 0):
    key = jax.random.key(seed)
    ks = jax.random.split(key, 16)

    def W(k, i, o):
        return jax.random.normal(k, (i, o), jnp.float32) / np.sqrt(i)

    inp = {}
    inp["src_feat"] = jax.random.normal(ks[0], (N_SRC, D), jnp.float32)
    inp["dst_feat"] = jax.random.normal(ks[1], (N_DST, D), jnp.float32)
    inp["edge_v_s2d"] = jax.random.normal(ks[2], (E, MD), jnp.float32)
    inp["edge_v_d2s"] = jax.random.normal(ks[3], (E, MD), jnp.float32)
    inp["edge_index_s2d"] = jax.random.randint(ks[4], (2, E), 0, N_DST)
    inp["edge_index_d2s"] = jax.random.randint(ks[5], (2, E), 0, N_SRC)
    inp["W_src"] = W(ks[6], D, D)
    inp["b_src"] = jnp.zeros((D,), jnp.float32)
    inp["W_dst"] = W(ks[7], D, D)
    inp["b_dst"] = jnp.zeros((D,), jnp.float32)
    inp["W_smsg"] = W(ks[8], MD, D)
    inp["b_smsg"] = jnp.zeros((D,), jnp.float32)
    inp["W_dmsg"] = W(ks[9], MD, D)
    inp["b_dmsg"] = jnp.zeros((D,), jnp.float32)
    inp["W_ln_r"] = W(ks[10], D, D)
    inp["b_ln_r"] = jnp.zeros((D,), jnp.float32)
    inp["g_r"] = jnp.ones((D,), jnp.float32)
    inp["beta_r"] = jnp.zeros((D,), jnp.float32)
    inp["W_row"] = W(ks[11], D, D)
    inp["b_row"] = jnp.zeros((D,), jnp.float32)
    inp["W_ln_c"] = W(ks[12], D, D)
    inp["b_ln_c"] = jnp.zeros((D,), jnp.float32)
    inp["g_c"] = jnp.ones((D,), jnp.float32)
    inp["beta_c"] = jnp.zeros((D,), jnp.float32)
    inp["W_col"] = W(ks[13], D, D)
    inp["b_col"] = jnp.zeros((D,), jnp.float32)
    return inp


def reference(src_feat, dst_feat, edge_v_s2d, edge_v_d2s, edge_index_s2d, edge_index_d2s,
              W_src, b_src, W_dst, b_dst, W_smsg, b_smsg, W_dmsg, b_dmsg,
              W_ln_r, b_ln_r, g_r, beta_r, W_row, b_row,
              W_ln_c, b_ln_c, g_c, beta_c, W_col, b_col):
    # node transforms
    h_src = src_feat @ W_src + b_src
    h_dst = dst_feat @ W_dst + b_dst
    # edge message transforms
    msg_s2d = edge_v_s2d @ W_smsg + b_smsg
    msg_d2s = edge_v_d2s @ W_dmsg + b_dmsg
    # src2dst: message = h of destination ('dst' type) node * edge msg, summed at dst nodes
    m1 = h_dst[edge_index_s2d[1]] * msg_s2d
    out_dst = jax.ops.segment_sum(m1, edge_index_s2d[1], num_segments=N_DST)
    # dst2src: message = h of destination ('src' type) node * edge msg, summed at src nodes
    m2 = h_src[edge_index_d2s[1]] * msg_d2s
    out_src = jax.ops.segment_sum(m2, edge_index_d2s[1], num_segments=N_SRC)
    row_embed = src_feat + (_ln(out_src, W_ln_r, b_ln_r, g_r, beta_r) @ W_row + b_row)
    col_embed = dst_feat + (_ln(out_dst, W_ln_c, b_ln_c, g_c, beta_c) @ W_col + b_col)
    return (row_embed, col_embed)

if __name__ == "__main__":
    import jax
    _d = setup_inputs()
    print(jax.jit(kernel)(*tuple(_d.values())))

</pallas_src>

<mosaic_0001>
#map = affine_map<(d0, d1) -> (0, 0)>
#map1 = affine_map<(d0, d1) -> (0)>
#map2 = affine_map<(d0, d1) -> (0, 0, 0)>
module attributes {stable_mosaic.version = 14 : i64} {
  func.func @_sc_body(%arg0: i32, %arg1: i32, %arg2: memref<160000x16xf32, #tpu.memory_space<hbm>>, %arg3: memref<320000xi32, #tpu.memory_space<hbm>>, %arg4: memref<160000x16xf32, #tpu.memory_space<hbm>>, %arg5: memref<320000xi32, #tpu.memory_space<hbm>>, %arg6: memref<2x10240x16xf32, #tpu.memory_space<hbm>>, %arg7: memref<2x10240x16xf32, #tpu.memory_space<hbm>>, %arg8: memref<1024x16xf32, #tpu.memory_space<vmem>>, %arg9: memref<1024xi32, #tpu.memory_space<vmem>>, %arg10: memref<1024x16xf32, #tpu.memory_space<vmem>>, %arg11: memref<1024xi32, #tpu.memory_space<vmem>>, %arg12: memref<!tpu.dma_semaphore, #tpu.memory_space<semaphore_mem>>, %arg13: memref<!tpu.dma_semaphore, #tpu.memory_space<semaphore_mem>>, %arg14: memref<!tpu.dma_semaphore, #tpu.memory_space<semaphore_mem>>, %arg15: memref<!tpu.dma_semaphore, #tpu.memory_space<semaphore_mem>>, %arg16: memref<128xi32, #tpu.memory_space<vmem>>, %arg17: memref<128x16xf32, #tpu.memory_space<vmem>>, %arg18: memref<10240x16xf32, #tpu.memory_space<vmem_shared>>, %arg19: memref<10240x16xf32, #tpu.memory_space<vmem_shared>>) attributes {dimension_semantics = [#tpu.dimension_semantics<core_parallel>, #tpu.dimension_semantics<subcore_parallel>], iteration_bounds = array<i64: 2, 16>, scalar_prefetch = 0 : i64, scratch_operands = 12 : i64, tpu.core_type = #tpu.core_type<sc_vector_subcore>, window_params = [{transform_indices = #map}, {transform_indices = #map1}, {transform_indices = #map}, {transform_indices = #map1}, {transform_indices = #map2}, {transform_indices = #map2}]} {
    %mul3A = arith.constant 2 : i32
    %mul3A_0 = arith.muli %arg1, %mul3A : i32
    %add3A = arith.addi %mul3A_0, %arg0 : i32
    %scan3A = arith.constant 0 : i32
    %scan3A_1 = arith.constant 0 : i32
    %scan3A_2 = arith.constant 128 : i32
    %scan3A_3 = arith.addi %scan3A_1, %scan3A_2 : i32
    %scan3A_4 = arith.constant 1 : i32
    scf.for %scan3A_399 = %scan3A_1 to %scan3A_3 step %scan3A_4  : i32 {
      %broadcast_in_dim3A = arith.constant 0.000000e+00 : f32
      %broadcast_in_dim3A_400 = vector.broadcast %broadcast_in_dim3A : f32 to vector<16xf32>
      %swap3A = arith.index_cast %scan3A_399 : i32 to index
      %swap3A_401 = arith.constant 0 : index
      %swap3A_402 = tpu.vector_load %arg17[%swap3A, %swap3A_401] {strides = array<i32>} : memref<128x16xf32, #tpu.memory_space<vmem>>, vector<1x16xf32>,
      %swap3A_403 = vector.shape_cast %swap3A_402 : vector<1x16xf32> to vector<16xf32>
      %swap3A_404 = vector.shape_cast %broadcast_in_dim3A_400 : vector<16xf32> to vector<1x16xf32>
      tpu.vector_store %arg17[%swap3A, %swap3A_401], %swap3A_404 {strides = array<i32>} : memref<128x16xf32, #tpu.memory_space<vmem>>, vector<1x16xf32>,
    }
    %scan3A_5 = arith.constant 128 : i32
    %scan3A_6 = arith.constant 0 : i32
    %scan3A_7 = arith.constant 0 : i32
    %scan3A_8 = arith.constant 5 : i32
    %scan3A_9 = arith.addi %scan3A_7, %scan3A_8 : i32
    %scan3A_10 = arith.constant 1 : i32
    scf.for %scan3A_399 = %scan3A_7 to %scan3A_9 step %scan3A_10  : i32 {
      %scan3A_400 = arith.constant 0 : i32
      %scan3A_401 = arith.constant 0 : i32
      %scan3A_402 = arith.constant 8 : i32
      %scan3A_403 = arith.addi %scan3A_401, %scan3A_402 : i32
      %scan3A_404 = arith.constant 1 : i32
      scf.for %scan3A_406 = %scan3A_401 to %scan3A_403 step %scan3A_404  : i32 {
        %mul3A_407 = arith.constant 640 : i32
        %mul3A_408 = arith.muli %arg1, %mul3A_407 : i32
        %mul3A_409 = arith.constant 128 : i32
        %mul3A_410 = arith.muli %scan3A_399, %mul3A_409 : i32
        %add3A_411 = arith.addi %mul3A_408, %mul3A_410 : i32
        %mul3A_412 = arith.constant 16 : i32
        %mul3A_413 = arith.muli %scan3A_406, %mul3A_412 : i32
        %add3A_414 = arith.addi %add3A_411, %mul3A_413 : i32
        %iota3A = tpu.iota {dimensions = array<i32: 0>} : vector<16xi32>
        %add3A_415 = vector.broadcast %add3A_414 : i32 to vector<16xi32>
        %add3A_416 = arith.addi %add3A_415, %iota3A : vector<16xi32>
        %mul3A_417 = arith.constant 16 : i32
        %mul3A_418 = arith.muli %scan3A_406, %mul3A_417 : i32
        %swap3A = arith.index_cast %mul3A_418 : i32 to index
        %swap3A_419 = tpu.vector_load %arg16[%swap3A] {strides = array<i32>} : memref<128xi32, #tpu.memory_space<vmem>>, vector<16xi32>,
        %swap3A_420 = vector.shape_cast %swap3A_419 : vector<16xi32> to vector<16xi32>
        %swap3A_421 = vector.shape_cast %add3A_416 : vector<16xi32> to vector<16xi32>
        tpu.vector_store %arg16[%swap3A], %swap3A_421 {strides = array<i32>} : memref<128xi32, #tpu.memory_space<vmem>>, vector<16xi32>,
      }
      %scan3A_405 = arith.constant 8 : i32
      "tpu.region"() ({
        %run_scoped3A = tpu.sem_alloc : memref<!tpu.dma_semaphore, #tpu.memory_space<semaphore_mem>>
        %dma_start3A_406 = arith.constant 0 : i32
        %dma_start3A_407 = arith.constant 0 : i32
        %dma_start3A_408 = tpu.memref_slice %arg18[%dma_start3A_406, %dma_start3A_407] : memref<10240x16xf32, #tpu.memory_space<vmem_shared>> -> memref<10240x16xf32, #tpu.memory_space<vmem_shared>>
        tpu.enqueue_indirect_dma source(%arg17 : memref<128x16xf32, #tpu.memory_space<vmem>>) target(%dma_start3A_408 : memref<10240x16xf32, #tpu.memory_space<vmem_shared>>) offsets(%arg16 : memref<128xi32, #tpu.memory_space<vmem>>) semaphore(%run_scoped3A : memref<!tpu.dma_semaphore, #tpu.memory_space<semaphore_mem>>)
        %dma_wait3A_409 = arith.constant 0 : i32
        %dma_wait3A_410 = arith.constant 0 : i32
        %dma_wait3A_411 = tpu.memref_slice %arg18[%dma_wait3A_409, %dma_wait3A_410] : memref<10240x16xf32, #tpu.memory_space<vmem_shared>> -> memref<10240x16xf32, #tpu.memory_space<vmem_shared>>
        tpu.wait_indirect_dma semaphore(%run_scoped3A : memref<!tpu.dma_semaphore, #tpu.memory_space<semaphore_mem>>) src(%arg17 : memref<128x16xf32, #tpu.memory_space<vmem>>) dst(%dma_wait3A_411 : memref<10240x16xf32, #tpu.memory_space<vmem_shared>>)
        tpu.yield
      }) : () -> ()
      "tpu.region"() ({
        %run_scoped3A = tpu.sem_alloc : memref<!tpu.dma_semaphore, #tpu.memory_space<semaphore_mem>>
        %dma_start3A_406 = arith.constant 0 : i32
        %dma_start3A_407 = arith.constant 0 : i32
        %dma_start3A_408 = tpu.memref_slice %arg19[%dma_start3A_406, %dma_start3A_407] : memref<10240x16xf32, #tpu.memory_space<vmem_shared>> -> memref<10240x16xf32, #tpu.memory_space<vmem_shared>>
        tpu.enqueue_indirect_dma source(%arg17 : memref<128x16xf32, #tpu.memory_space<vmem>>) target(%dma_start3A_408 : memref<10240x16xf32, #tpu.memory_space<vmem_shared>>) offsets(%arg16 : memref<128xi32, #tpu.memory_space<vmem>>) semaphore(%run_scoped3A : memref<!tpu.dma_semaphore, #tpu.memory_space<semaphore_mem>>)
        %dma_wait3A_409 = arith.constant 0 : i32
        %dma_wait3A_410 = arith.constant 0 : i32
        %dma_wait3A_411 = tpu.memref_slice %arg19[%dma_wait3A_409, %dma_wait3A_410] : memref<10240x16xf32, #tpu.memory_space<vmem_shared>> -> memref<10240x16xf32, #tpu.memory_space<vmem_shared>>
        tpu.wait_indirect_dma semaphore(%run_scoped3A : memref<!tpu.dma_semaphore, #tpu.memory_space<semaphore_mem>>) src(%arg17 : memref<128x16xf32, #tpu.memory_space<vmem>>) dst(%dma_wait3A_411 : memref<10240x16xf32, #tpu.memory_space<vmem_shared>>)
        tpu.yield
      }) : () -> ()
    }
    %scan3A_11 = arith.constant 5 : i32
    %barrier3A = arith.constant 0 : index
    tpu.barrier barrier_id(%barrier3A)
    %mul3A_12 = arith.constant 5000 : i32
    %mul3A_13 = arith.muli %add3A, %mul3A_12 : i32
    %add3A_14 = arith.constant 160000 : i32
    %add3A_15 = arith.addi %add3A_14, %mul3A_13 : i32
    %add3A_16 = arith.constant 0 : i32
    %add3A_17 = arith.addi %add3A_15, %add3A_16 : i32
    %dma_start3A = arith.constant 0 : i32
    %dma_start3A_18 = tpu.memref_slice %arg9[%dma_start3A] : memref<1024xi32, #tpu.memory_space<vmem>> -> memref<1024xi32, #tpu.memory_space<vmem>>
    %dma_start3A_19 = tpu.memref_slice %arg3[%add3A_17] : memref<320000xi32, #tpu.memory_space<hbm>> -> memref<1024xi32, #tpu.memory_space<hbm>>
    %dma_start3A_20 = arith.constant 0 : i32
    %dma_start3A_21 = tpu.memref_slice %arg9[%dma_start3A_20] : memref<1024xi32, #tpu.memory_space<vmem>> -> memref<1024xi32, #tpu.memory_space<vmem>>
    %dma_start3A_22 = tpu.memref_slice %arg3[%add3A_17] : memref<320000xi32, #tpu.memory_space<hbm>> -> memref<1024xi32, #tpu.memory_space<hbm>>
    tpu.enqueue_dma source(%dma_start3A_22 : memref<1024xi32, #tpu.memory_space<hbm>>) target(%dma_start3A_21 : memref<1024xi32, #tpu.memory_space<vmem>>) target_semaphore(%arg12 : memref<!tpu.dma_semaphore, #tpu.memory_space<semaphore_mem>>)
    %add3A_23 = arith.constant 0 : i32
    %add3A_24 = arith.addi %mul3A_13, %add3A_23 : i32
    %dma_start3A_25 = arith.constant 0 : i32
    %dma_start3A_26 = arith.constant 0 : i32
    %dma_start3A_27 = tpu.memref_slice %arg8[%dma_start3A_25, %dma_start3A_26] : memref<1024x16xf32, #tpu.memory_space<vmem>> -> memref<1024x16xf32, #tpu.memory_space<vmem>>
    %dma_start3A_28 = arith.constant 0 : i32
    %dma_start3A_29 = tpu.memref_slice %arg2[%add3A_24, %dma_start3A_28] : memref<160000x16xf32, #tpu.memory_space<hbm>> -> memref<1024x16xf32, #tpu.memory_space<hbm>>
    %dma_start3A_30 = arith.constant 0 : i32
    %dma_start3A_31 = arith.constant 0 : i32
    %dma_start3A_32 = tpu.memref_slice %arg8[%dma_start3A_30, %dma_start3A_31] : memref<1024x16xf32, #tpu.memory_space<vmem>> -> memref<1024x16xf32, #tpu.memory_space<vmem>>
    %dma_start3A_33 = arith.constant 0 : i32
    %dma_start3A_34 = tpu.memref_slice %arg2[%add3A_24, %dma_start3A_33] : memref<160000x16xf32, #tpu.memory_space<hbm>> -> memref<1024x16xf32, #tpu.memory_space<hbm>>
    tpu.enqueue_dma source(%dma_start3A_34 : memref<1024x16xf32, #tpu.memory_space<hbm>>) target(%dma_start3A_32 : memref<1024x16xf32, #tpu.memory_space<vmem>>) target_semaphore(%arg13 : memref<!tpu.dma_semaphore, #tpu.memory_space<semaphore_mem>>)
    %add3A_35 = arith.constant 160000 : i32
    %add3A_36 = arith.addi %add3A_35, %mul3A_13 : i32
    %add3A_37 = arith.constant 1024 : i32
    %add3A_38 = arith.addi %add3A_36, %add3A_37 : i32
    %dma_start3A_39 = arith.constant 0 : i32
    %dma_start3A_40 = tpu.memref_slice %arg11[%dma_start3A_39] : memref<1024xi32, #tpu.memory_space<vmem>> -> memref<1024xi32, #tpu.memory_space<vmem>>
    %dma_start3A_41 = tpu.memref_slice %arg3[%add3A_38] : memref<320000xi32, #tpu.memory_space<hbm>> -> memref<1024xi32, #tpu.memory_space<hbm>>
    %dma_start3A_42 = arith.constant 0 : i32
    %dma_start3A_43 = tpu.memref_slice %arg11[%dma_start3A_42] : memref<1024xi32, #tpu.memory_space<vmem>> -> memref<1024xi32, #tpu.memory_space<vmem>>
    %dma_start3A_44 = tpu.memref_slice %arg3[%add3A_38] : memref<320000xi32, #tpu.memory_space<hbm>> -> memref<1024xi32, #tpu.memory_space<hbm>>
    tpu.enqueue_dma source(%dma_start3A_44 : memref<1024xi32, #tpu.memory_space<hbm>>) target(%dma_start3A_43 : memref<1024xi32, #tpu.memory_space<vmem>>) target_semaphore(%arg14 : memref<!tpu.dma_semaphore, #tpu.memory_space<semaphore_mem>>)
    %add3A_45 = arith.constant 1024 : i32
    %add3A_46 = arith.addi %mul3A_13, %add3A_45 : i32
    %dma_start3A_47 = arith.constant 0 : i32
    %dma_start3A_48 = arith.constant 0 : i32
    %dma_start3A_49 = tpu.memref_slice %arg10[%dma_start3A_47, %dma_start3A_48] : memref<1024x16xf32, #tpu.memory_space<vmem>> -> memref<1024x16xf32, #tpu.memory_space<vmem>>
    %dma_start3A_50 = arith.constant 0 : i32
    %dma_start3A_51 = tpu.memref_slice %arg2[%add3A_46, %dma_start3A_50] : memref<160000x16xf32, #tpu.memory_space<hbm>> -> memref<1024x16xf32, #tpu.memory_space<hbm>>
    %dma_start3A_52 = arith.constant 0 : i32
    %dma_start3A_53 = arith.constant 0 : i32
    %dma_start3A_54 = tpu.memref_slice %arg10[%dma_start3A_52, %dma_start3A_53] : memref<1024x16xf32, #tpu.memory_space<vmem>> -> memref<1024x16xf32, #tpu.memory_space<vmem>>
    %dma_start3A_55 = arith.constant 0 : i32
    %dma_start3A_56 = tpu.memref_slice %arg2[%add3A_46, %dma_start3A_55] : memref<160000x16xf32, #tpu.memory_space<hbm>> -> memref<1024x16xf32, #tpu.memory_space<hbm>>
    tpu.enqueue_dma source(%dma_start3A_56 : memref<1024x16xf32, #tpu.memory_space<hbm>>) target(%dma_start3A_54 : memref<1024x16xf32, #tpu.memory_space<vmem>>) target_semaphore(%arg15 : memref<!tpu.dma_semaphore, #tpu.memory_space<semaphore_mem>>)
    %dma_wait3A = arith.constant 0 : i32
    %dma_wait3A_57 = tpu.memref_slice %arg9[%dma_wait3A] : memref<1024xi32, #tpu.memory_space<vmem>> -> memref<1024xi32, #tpu.memory_space<vmem>>
    %dma_wait3A_58 = tpu.memref_slice %arg3[%add3A_17] : memref<320000xi32, #tpu.memory_space<hbm>> -> memref<1024xi32, #tpu.memory_space<hbm>>
    %dma_wait3A_59 = arith.constant 0 : i32
    %dma_wait3A_60 = tpu.memref_slice %arg9[%dma_wait3A_59] : memref<1024xi32, #tpu.memory_space<vmem>> -> memref<1024xi32, #tpu.memory_space<vmem>>
    %dma_wait3A_61 = tpu.memref_slice %arg3[%add3A_17] : memref<320000xi32, #tpu.memory_space<hbm>> -> memref<1024xi32, #tpu.memory_space<hbm>>
    tpu.wait_dma2 semaphore(%arg12 : memref<!tpu.dma_semaphore, #tpu.memory_space<semaphore_mem>>) src(%dma_wait3A_61 : memref<1024xi32, #tpu.memory_space<hbm>>) dst(%dma_wait3A_60 : memref<1024xi32, #tpu.memory_space<vmem>>)
    %dma_wait3A_62 = arith.constant 0 : i32
    %dma_wait3A_63 = arith.constant 0 : i32
    %dma_wait3A_64 = tpu.memref_slice %arg8[%dma_wait3A_62, %dma_wait3A_63] : memref<1024x16xf32, #tpu.memory_space<vmem>> -> memref<1024x16xf32, #tpu.memory_space<vmem>>
    %dma_wait3A_65 = arith.constant 0 : i32
    %dma_wait3A_66 = tpu.memref_slice %arg2[%add3A_24, %dma_wait3A_65] : memref<160000x16xf32, #tpu.memory_space<hbm>> -> memref<1024x16xf32, #tpu.memory_space<hbm>>
    %dma_wait3A_67 = arith.constant 0 : i32
    %dma_wait3A_68 = arith.constant 0 : i32
    %dma_wait3A_69 = tpu.memref_slice %arg8[%dma_wait3A_67, %dma_wait3A_68] : memref<1024x16xf32, #tpu.memory_space<vmem>> -> memref<1024x16xf32, #tpu.memory_space<vmem>>
    %dma_wait3A_70 = arith.constant 0 : i32
    %dma_wait3A_71 = tpu.memref_slice %arg2[%add3A_24, %dma_wait3A_70] : memref<160000x16xf32, #tpu.memory_space<hbm>> -> memref<1024x16xf32, #tpu.memory_space<hbm>>
    tpu.wait_dma2 semaphore(%arg13 : memref<!tpu.dma_semaphore, #tpu.memory_space<semaphore_mem>>) src(%dma_wait3A_71 : memref<1024x16xf32, #tpu.memory_space<hbm>>) dst(%dma_wait3A_69 : memref<1024x16xf32, #tpu.memory_space<vmem>>)
    "tpu.region"() ({
      %run_scoped3A = tpu.sem_alloc : memref<!tpu.dma_semaphore, #tpu.memory_space<semaphore_mem>>
      %dma_start3A_399 = arith.constant 0 : i32
      %dma_start3A_400 = arith.constant 0 : i32
      %dma_start3A_401 = tpu.memref_slice %arg8[%dma_start3A_399, %dma_start3A_400] : memref<1024x16xf32, #tpu.memory_space<vmem>> -> memref<1024x16xf32, #tpu.memory_space<vmem>>
      %dma_start3A_402 = arith.constant 0 : i32
      %dma_start3A_403 = tpu.memref_slice %arg9[%dma_start3A_402] : memref<1024xi32, #tpu.memory_space<vmem>> -> memref<1024xi32, #tpu.memory_space<vmem>>
      %dma_start3A_404 = arith.constant 0 : i32
      %dma_start3A_405 = arith.constant 0 : i32
      %dma_start3A_406 = tpu.memref_slice %arg18[%dma_start3A_404, %dma_start3A_405] : memref<10240x16xf32, #tpu.memory_space<vmem_shared>> -> memref<10240x16xf32, #tpu.memory_space<vmem_shared>>
      tpu.enqueue_indirect_dma source(%dma_start3A_401 : memref<1024x16xf32, #tpu.memory_space<vmem>>) target(%dma_start3A_406 : memref<10240x16xf32, #tpu.memory_space<vmem_shared>>) offsets(%dma_start3A_403 : memref<1024xi32, #tpu.memory_space<vmem>>) semaphore(%run_scoped3A : memref<!tpu.dma_semaphore, #tpu.memory_space<semaphore_mem>>) {add = true}
      %dma_wait3A_407 = arith.constant 0 : i32
      %dma_wait3A_408 = arith.constant 0 : i32
      %dma_wait3A_409 = tpu.memref_slice %arg8[%dma_wait3A_407, %dma_wait3A_408] : memref<1024x16xf32, #tpu.memory_space<vmem>> -> memref<1024x16xf32, #tpu.memory_space<vmem>>
      %dma_wait3A_410 = arith.constant 0 : i32
      %dma_wait3A_411 = tpu.memref_slice %arg9[%dma_wait3A_410] : memref<1024xi32, #tpu.memory_space<vmem>> -> memref<1024xi32, #tpu.memory_space<vmem>>
      %dma_wait3A_412 = arith.constant 0 : i32
      %dma_wait3A_413 = arith.constant 0 : i32
      %dma_wait3A_414 = tpu.memref_slice %arg18[%dma_wait3A_412, %dma_wait3A_413] : memref<10240x16xf32, #tpu.memory_space<vmem_shared>> -> memref<10240x16xf32, #tpu.memory_space<vmem_shared>>
      tpu.wait_indirect_dma semaphore(%run_scoped3A : memref<!tpu.dma_semaphore, #tpu.memory_space<semaphore_mem>>) src(%dma_wait3A_409 : memref<1024x16xf32, #tpu.memory_space<vmem>>) dst(%dma_wait3A_414 : memref<10240x16xf32, #tpu.memory_space<vmem_shared>>)
      tpu.yield
    }) : () -> ()
    %add3A_72 = arith.constant 160000 : i32
    %add3A_73 = arith.addi %add3A_72, %mul3A_13 : i32
    %add3A_74 = arith.constant 2048 : i32
    %add3A_75 = arith.addi %add3A_73, %add3A_74 : i32
    %dma_start3A_76 = arith.constant 0 : i32
    %dma_start3A_77 = tpu.memref_slice %arg9[%dma_start3A_76] : memref<1024xi32, #tpu.memory_space<vmem>> -> memref<1024xi32, #tpu.memory_space<vmem>>
    %dma_start3A_78 = tpu.memref_slice %arg3[%add3A_75] : memref<320000xi32, #tpu.memory_space<hbm>> -> memref<1024xi32, #tpu.memory_space<hbm>>
    %dma_start3A_79 = arith.constant 0 : i32
    %dma_start3A_80 = tpu.memref_slice %arg9[%dma_start3A_79] : memref<1024xi32, #tpu.memory_space<vmem>> -> memref<1024xi32, #tpu.memory_space<vmem>>
    %dma_start3A_81 = tpu.memref_slice %arg3[%add3A_75] : memref<320000xi32, #tpu.memory_space<hbm>> -> memref<1024xi32, #tpu.memory_space<hbm>>
    tpu.enqueue_dma source(%dma_start3A_81 : memref<1024xi32, #tpu.memory_space<hbm>>) target(%dma_start3A_80 : memref<1024xi32, #tpu.memory_space<vmem>>) target_semaphore(%arg12 : memref<!tpu.dma_semaphore, #tpu.memory_space<semaphore_mem>>)
    %add3A_82 = arith.constant 2048 : i32
    %add3A_83 = arith.addi %mul3A_13, %add3A_82 : i32
    %dma_start3A_84 = arith.constant 0 : i32
    %dma_start3A_85 = arith.constant 0 : i32
    %dma_start3A_86 = tpu.memref_slice %arg8[%dma_start3A_84, %dma_start3A_85] : memref<1024x16xf32, #tpu.memory_space<vmem>> -> memref<1024x16xf32, #tpu.memory_space<vmem>>
    %dma_start3A_87 = arith.constant 0 : i32
    %dma_start3A_88 = tpu.memref_slice %arg2[%add3A_83, %dma_start3A_87] : memref<160000x16xf32, #tpu.memory_space<hbm>> -> memref<1024x16xf32, #tpu.memory_space<hbm>>
    %dma_start3A_89 = arith.constant 0 : i32
    %dma_start3A_90 = arith.constant 0 : i32
    %dma_start3A_91 = tpu.memref_slice %arg8[%dma_start3A_89, %dma_start3A_90] : memref<1024x16xf32, #tpu.memory_space<vmem>> -> memref<1024x16xf32, #tpu.memory_space<vmem>>
    %dma_start3A_92 = arith.constant 0 : i32
    %dma_start3A_93 = tpu.memref_slice %arg2[%add3A_83, %dma_start3A_92] : memref<160000x16xf32, #tpu.memory_space<hbm>> -> memref<1024x16xf32, #tpu.memory_space<hbm>>
    tpu.enqueue_dma source(%dma_start3A_93 : memref<1024x16xf32, #tpu.memory_space<hbm>>) target(%dma_start3A_91 : memref<1024x16xf32, #tpu.memory_space<vmem>>) target_semaphore(%arg13 : memref<!tpu.dma_semaphore, #tpu.memory_space<semaphore_mem>>)
    %dma_wait3A_94 = arith.constant 0 : i32
    %dma_wait3A_95 = tpu.memref_slice %arg11[%dma_wait3A_94] : memref<1024xi32, #tpu.memory_space<vmem>> -> memref<1024xi32, #tpu.memory_space<vmem>>
    %dma_wait3A_96 = tpu.memref_slice %arg3[%add3A_38] : memref<320000xi32, #tpu.memory_space<hbm>> -> memref<1024xi32, #tpu.memory_space<hbm>>
    %dma_wait3A_97 = arith.constant 0 : i32
    %dma_wait3A_98 = tpu.memref_slice %arg11[%dma_wait3A_97] : memref<1024xi32, #tpu.memory_space<vmem>> -> memref<1024xi32, #tpu.memory_space<vmem>>
    %dma_wait3A_99 = tpu.memref_slice %arg3[%add3A_38] : memref<320000xi32, #tpu.memory_space<hbm>> -> memref<1024xi32, #tpu.memory_space<hbm>>
    tpu.wait_dma2 semaphore(%arg14 : memref<!tpu.dma_semaphore, #tpu.memory_space<semaphore_mem>>) src(%dma_wait3A_99 : memref<1024xi32, #tpu.memory_space<hbm>>) dst(%dma_wait3A_98 : memref<1024xi32, #tpu.memory_space<vmem>>)
    %dma_wait3A_100 = arith.constant 0 : i32
    %dma_wait3A_101 = arith.constant 0 : i32
    %dma_wait3A_102 = tpu.memref_slice %arg10[%dma_wait3A_100, %dma_wait3A_101] : memref<1024x16xf32, #tpu.memory_space<vmem>> -> memref<1024x16xf32, #tpu.memory_space<vmem>>
    %dma_wait3A_103 = arith.constant 0 : i32
    %dma_wait3A_104 = tpu.memref_slice %arg2[%add3A_46, %dma_wait3A_103] : memref<160000x16xf32, #tpu.memory_space<hbm>> -> memref<1024x16xf32, #tpu.memory_space<hbm>>
    %dma_wait3A_105 = arith.constant 0 : i32
    %dma_wait3A_106 = arith.constant 0 : i32
    %dma_wait3A_107 = tpu.memref_slice %arg10[%dma_wait3A_105, %dma_wait3A_106] : memref<1024x16xf32, #tpu.memory_space<vmem>> -> memref<1024x16xf32, #tpu.memory_space<vmem>>
    %dma_wait3A_108 = arith.constant 0 : i32
    %dma_wait3A_109 = tpu.memref_slice %arg2[%add3A_46, %dma_wait3A_108] : memref<160000x16xf32, #tpu.memory_space<hbm>> -> memref<1024x16xf32, #tpu.memory_space<hbm>>
    tpu.wait_dma2 semaphore(%arg15 : memref<!tpu.dma_semaphore, #tpu.memory_space<semaphore_mem>>) src(%dma_wait3A_109 : memref<1024x16xf32, #tpu.memory_space<hbm>>) dst(%dma_wait3A_107 : memref<1024x16xf32, #tpu.memory_space<vmem>>)
    "tpu.region"() ({
      %run_scoped3A = tpu.sem_alloc : memref<!tpu.dma_semaphore, #tpu.memory_space<semaphore_mem>>
      %dma_start3A_399 = arith.constant 0 : i32
      %dma_start3A_400 = arith.constant 0 : i32
      %dma_start3A_401 = tpu.memref_slice %arg10[%dma_start3A_399, %dma_start3A_400] : memref<1024x16xf32, #tpu.memory_space<vmem>> -> memref<1024x16xf32, #tpu.memory_space<vmem>>
      %dma_start3A_402 = arith.constant 0 : i32
      %dma_start3A_403 = tpu.memref_slice %arg11[%dma_start3A_402] : memref<1024xi32, #tpu.memory_space<vmem>> -> memref<1024xi32, #tpu.memory_space<vmem>>
      %dma_start3A_404 = arith.constant 0 : i32
      %dma_start3A_405 = arith.constant 0 : i32
      %dma_start3A_406 = tpu.memref_slice %arg18[%dma_start3A_404, %dma_start3A_405] : memref<10240x16xf32, #tpu.memory_space<vmem_shared>> -> memref<10240x16xf32, #tpu.memory_space<vmem_shared>>
      tpu.enqueue_indirect_dma source(%dma_start3A_401 : memref<1024x16xf32, #tpu.memory_space<vmem>>) target(%dma_start3A_406 : memref<10240x16xf32, #tpu.memory_space<vmem_shared>>) offsets(%dma_start3A_403 : memref<1024xi32, #tpu.memory_space<vmem>>) semaphore(%run_scoped3A : memref<!tpu.dma_semaphore, #tpu.memory_space<semaphore_mem>>) {add = true}
      %dma_wait3A_407 = arith.constant 0 : i32
      %dma_wait3A_408 = arith.constant 0 : i32
      %dma_wait3A_409 = tpu.memref_slice %arg10[%dma_wait3A_407, %dma_wait3A_408] : memref<1024x16xf32, #tpu.memory_space<vmem>> -> memref<1024x16xf32, #tpu.memory_space<vmem>>
      %dma_wait3A_410 = arith.constant 0 : i32
      %dma_wait3A_411 = tpu.memref_slice %arg11[%dma_wait3A_410] : memref<1024xi32, #tpu.memory_space<vmem>> -> memref<1024xi32, #tpu.memory_space<vmem>>
      %dma_wait3A_412 = arith.constant 0 : i32
      %dma_wait3A_413 = arith.constant 0 : i32
      %dma_wait3A_414 = tpu.memref_slice %arg18[%dma_wait3A_412, %dma_wait3A_413] : memref<10240x16xf32, #tpu.memory_space<vmem_shared>> -> memref<10240x16xf32, #tpu.memory_space<vmem_shared>>
      tpu.wait_indirect_dma semaphore(%run_scoped3A : memref<!tpu.dma_semaphore, #tpu.memory_space<semaphore_mem>>) src(%dma_wait3A_409 : memref<1024x16xf32, #tpu.memory_space<vmem>>) dst(%dma_wait3A_414 : memref<10240x16xf32, #tpu.memory_space<vmem_shared>>)
      tpu.yield
    }) : () -> ()
    %add3A_110 = arith.constant 160000 : i32
    %add3A_111 = arith.addi %add3A_110, %mul3A_13 : i32
    %add3A_112 = arith.constant 3072 : i32
    %add3A_113 = arith.addi %add3A_111, %add3A_112 : i32
    %dma_start3A_114 = arith.constant 0 : i32
    %dma_start3A_115 = tpu.memref_slice %arg11[%dma_start3A_114] : memref<1024xi32, #tpu.memory_space<vmem>> -> memref<1024xi32, #tpu.memory_space<vmem>>
    %dma_start3A_116 = tpu.memref_slice %arg3[%add3A_113] : memref<320000xi32, #tpu.memory_space<hbm>> -> memref<1024xi32, #tpu.memory_space<hbm>>
    %dma_start3A_117 = arith.constant 0 : i32
    %dma_start3A_118 = tpu.memref_slice %arg11[%dma_start3A_117] : memref<1024xi32, #tpu.memory_space<vmem>> -> memref<1024xi32, #tpu.memory_space<vmem>>
    %dma_start3A_119 = tpu.memref_slice %arg3[%add3A_113] : memref<320000xi32, #tpu.memory_space<hbm>> -> memref<1024xi32, #tpu.memory_space<hbm>>
    tpu.enqueue_dma source(%dma_start3A_119 : memref<1024xi32, #tpu.memory_space<hbm>>) target(%dma_start3A_118 : memref<1024xi32, #tpu.memory_space<vmem>>) target_semaphore(%arg14 : memref<!tpu.dma_semaphore, #tpu.memory_space<semaphore_mem>>)
    %add3A_120 = arith.constant 3072 : i32
    %add3A_121 = arith.addi %mul3A_13, %add3A_120 : i32
    %dma_start3A_122 = arith.constant 0 : i32
    %dma_start3A_123 = arith.constant 0 : i32
    %dma_start3A_124 = tpu.memref_slice %arg10[%dma_start3A_122, %dma_start3A_123] : memref<1024x16xf32, #tpu.memory_space<vmem>> -> memref<1024x16xf32, #tpu.memory_space<vmem>>
    %dma_start3A_125 = arith.constant 0 : i32
    %dma_start3A_126 = tpu.memref_slice %arg2[%add3A_121, %dma_start3A_125] : memref<160000x16xf32, #tpu.memory_space<hbm>> -> memref<1024x16xf32, #tpu.memory_space<hbm>>
    %dma_start3A_127 = arith.constant 0 : i32
    %dma_start3A_128 = arith.constant 0 : i32
    %dma_start3A_129 = tpu.memref_slice %arg10[%dma_start3A_127, %dma_start3A_128] : memref<1024x16xf32, #tpu.memory_space<vmem>> -> memref<1024x16xf32, #tpu.memory_space<vmem>>
    %dma_start3A_130 = arith.constant 0 : i32
    %dma_start3A_131 = tpu.memref_slice %arg2[%add3A_121, %dma_start3A_130] : memref<160000x16xf32, #tpu.memory_space<hbm>> -> memref<1024x16xf32, #tpu.memory_space<hbm>>
    tpu.enqueue_dma source(%dma_start3A_131 : memref<1024x16xf32, #tpu.memory_space<hbm>>) target(%dma_start3A_129 : memref<1024x16xf32, #tpu.memory_space<vmem>>) target_semaphore(%arg15 : memref<!tpu.dma_semaphore, #tpu.memory_space<semaphore_mem>>)
    %dma_wait3A_132 = arith.constant 0 : i32
    %dma_wait3A_133 = tpu.memref_slice %arg9[%dma_wait3A_132] : memref<1024xi32, #tpu.memory_space<vmem>> -> memref<1024xi32, #tpu.memory_space<vmem>>
    %dma_wait3A_134 = tpu.memref_slice %arg3[%add3A_75] : memref<320000xi32, #tpu.memory_space<hbm>> -> memref<1024xi32, #tpu.memory_space<hbm>>
    %dma_wait3A_135 = arith.constant 0 : i32
    %dma_wait3A_136 = tpu.memref_slice %arg9[%dma_wait3A_135] : memref<1024xi32, #tpu.memory_space<vmem>> -> memref<1024xi32, #tpu.memory_space<vmem>>
    %dma_wait3A_137 = tpu.memref_slice %arg3[%add3A_75] : memref<320000xi32, #tpu.memory_space<hbm>> -> memref<1024xi32, #tpu.memory_space<hbm>>
    tpu.wait_dma2 semaphore(%arg12 : memref<!tpu.dma_semaphore, #tpu.memory_space<semaphore_mem>>) src(%dma_wait3A_137 : memref<1024xi32, #tpu.memory_space<hbm>>) dst(%dma_wait3A_136 : memref<1024xi32, #tpu.memory_space<vmem>>)
    %dma_wait3A_138 = arith.constant 0 : i32
    %dma_wait3A_139 = arith.constant 0 : i32
    %dma_wait3A_140 = tpu.memref_slice %arg8[%dma_wait3A_138, %dma_wait3A_139] : memref<1024x16xf32, #tpu.memory_space<vmem>> -> memref<1024x16xf32, #tpu.memory_space<vmem>>
    %dma_wait3A_141 = arith.constant 0 : i32
    %dma_wait3A_142 = tpu.memref_slice %arg2[%add3A_83, %dma_wait3A_141] : memref<160000x16xf32, #tpu.memory_space<hbm>> -> memref<1024x16xf32, #tpu.memory_space<hbm>>
    %dma_wait3A_143 = arith.constant 0 : i32
    %dma_wait3A_144 = arith.constant 0 : i32
    %dma_wait3A_145 = tpu.memref_slice %arg8[%dma_wait3A_143, %dma_wait3A_144] : memref<1024x16xf32, #tpu.memory_space<vmem>> -> memref<1024x16xf32, #tpu.memory_space<vmem>>
    %dma_wait3A_146 = arith.constant 0 : i32
    %dma_wait3A_147 = tpu.memref_slice %arg2[%add3A_83, %dma_wait3A_146] : memref<160000x16xf32, #tpu.memory_space<hbm>> -> memref<1024x16xf32, #tpu.memory_space<hbm>>
    tpu.wait_dma2 semaphore(%arg13 : memref<!tpu.dma_semaphore, #tpu.memory_space<semaphore_mem>>) src(%dma_wait3A_147 : memref<1024x16xf32, #tpu.memory_space<hbm>>) dst(%dma_wait3A_145 : memref<1024x16xf32, #tpu.memory_space<vmem>>)
    "tpu.region"() ({
      %run_scoped3A = tpu.sem_alloc : memref<!tpu.dma_semaphore, #tpu.memory_space<semaphore_mem>>
      %dma_start3A_399 = arith.constant 0 : i32
      %dma_start3A_400 = arith.constant 0 : i32
      %dma_start3A_401 = tpu.memref_slice %arg8[%dma_start3A_399, %dma_start3A_400] : memref<1024x16xf32, #tpu.memory_space<vmem>> -> memref<1024x16xf32, #tpu.memory_space<vmem>>
      %dma_start3A_402 = arith.constant 0 : i32
      %dma_start3A_403 = tpu.memref_slice %arg9[%dma_start3A_402] : memref<1024xi32, #tpu.memory_space<vmem>> -> memref<1024xi32, #tpu.memory_space<vmem>>
      %dma_start3A_404 = arith.constant 0 : i32
      %dma_start3A_405 = arith.constant 0 : i32
      %dma_start3A_406 = tpu.memref_slice %arg18[%dma_start3A_404, %dma_start3A_405] : memref<10240x16xf32, #tpu.memory_space<vmem_shared>> -> memref<10240x16xf32, #tpu.memory_space<vmem_shared>>
      tpu.enqueue_indirect_dma source(%dma_start3A_401 : memref<1024x16xf32, #tpu.memory_space<vmem>>) target(%dma_start3A_406 : memref<10240x16xf32, #tpu.memory_space<vmem_shared>>) offsets(%dma_start3A_403 : memref<1024xi32, #tpu.memory_space<vmem>>) semaphore(%run_scoped3A : memref<!tpu.dma_semaphore, #tpu.memory_space<semaphore_mem>>) {add = true}
      %dma_wait3A_407 = arith.constant 0 : i32
      %dma_wait3A_408 = arith.constant 0 : i32
      %dma_wait3A_409 = tpu.memref_slice %arg8[%dma_wait3A_407, %dma_wait3A_408] : memref<1024x16xf32, #tpu.memory_space<vmem>> -> memref<1024x16xf32, #tpu.memory_space<vmem>>
      %dma_wait3A_410 = arith.constant 0 : i32
      %dma_wait3A_411 = tpu.memref_slice %arg9[%dma_wait3A_410] : memref<1024xi32, #tpu.memory_space<vmem>> -> memref<1024xi32, #tpu.memory_space<vmem>>
      %dma_wait3A_412 = arith.constant 0 : i32
      %dma_wait3A_413 = arith.constant 0 : i32
      %dma_wait3A_414 = tpu.memref_slice %arg18[%dma_wait3A_412, %dma_wait3A_413] : memref<10240x16xf32, #tpu.memory_space<vmem_shared>> -> memref<10240x16xf32, #tpu.memory_space<vmem_shared>>
      tpu.wait_indirect_dma semaphore(%run_scoped3A : memref<!tpu.dma_semaphore, #tpu.memory_space<semaphore_mem>>) src(%dma_wait3A_409 : memref<1024x16xf32, #tpu.memory_space<vmem>>) dst(%dma_wait3A_414 : memref<10240x16xf32, #tpu.memory_space<vmem_shared>>)
      tpu.yield
    }) : () -> ()
    %add3A_148 = arith.constant 160000 : i32
    %add3A_149 = arith.addi %add3A_148, %mul3A_13 : i32
    %add3A_150 = arith.constant 4096 : i32
    %add3A_151 = arith.addi %add3A_149, %add3A_150 : i32
    %dma_start3A_152 = arith.constant 0 : i32
    %dma_start3A_153 = tpu.memref_slice %arg9[%dma_start3A_152] : memref<1024xi32, #tpu.memory_space<vmem>> -> memref<904xi32, #tpu.memory_space<vmem>>
    %dma_start3A_154 = tpu.memref_slice %arg3[%add3A_151] : memref<320000xi32, #tpu.memory_space<hbm>> -> memref<904xi32, #tpu.memory_space<hbm>>
    %dma_start3A_155 = arith.constant 0 : i32
    %dma_start3A_156 = tpu.memref_slice %arg9[%dma_start3A_155] : memref<1024xi32, #tpu.memory_space<vmem>> -> memref<904xi32, #tpu.memory_space<vmem>>
    %dma_start3A_157 = tpu.memref_slice %arg3[%add3A_151] : memref<320000xi32, #tpu.memory_space<hbm>> -> memref<904xi32, #tpu.memory_space<hbm>>
    tpu.enqueue_dma source(%dma_start3A_157 : memref<904xi32, #tpu.memory_space<hbm>>) target(%dma_start3A_156 : memref<904xi32, #tpu.memory_space<vmem>>) target_semaphore(%arg12 : memref<!tpu.dma_semaphore, #tpu.memory_space<semaphore_mem>>)
    %add3A_158 = arith.constant 4096 : i32
    %add3A_159 = arith.addi %mul3A_13, %add3A_158 : i32
    %dma_start3A_160 = arith.constant 0 : i32
    %dma_start3A_161 = arith.constant 0 : i32
    %dma_start3A_162 = tpu.memref_slice %arg8[%dma_start3A_160, %dma_start3A_161] : memref<1024x16xf32, #tpu.memory_space<vmem>> -> memref<904x16xf32, #tpu.memory_space<vmem>>
    %dma_start3A_163 = arith.constant 0 : i32
    %dma_start3A_164 = tpu.memref_slice %arg2[%add3A_159, %dma_start3A_163] : memref<160000x16xf32, #tpu.memory_space<hbm>> -> memref<904x16xf32, #tpu.memory_space<hbm>>
    %dma_start3A_165 = arith.constant 0 : i32
    %dma_start3A_166 = arith.constant 0 : i32
    %dma_start3A_167 = tpu.memref_slice %arg8[%dma_start3A_165, %dma_start3A_166] : memref<1024x16xf32, #tpu.memory_space<vmem>> -> memref<904x16xf32, #tpu.memory_space<vmem>>
    %dma_start3A_168 = arith.constant 0 : i32
    %dma_start3A_169 = tpu.memref_slice %arg2[%add3A_159, %dma_start3A_168] : memref<160000x16xf32, #tpu.memory_space<hbm>> -> memref<904x16xf32, #tpu.memory_space<hbm>>
    tpu.enqueue_dma source(%dma_start3A_169 : memref<904x16xf32, #tpu.memory_space<hbm>>) target(%dma_start3A_167 : memref<904x16xf32, #tpu.memory_space<vmem>>) target_semaphore(%arg13 : memref<!tpu.dma_semaphore, #tpu.memory_space<semaphore_mem>>)
    %dma_wait3A_170 = arith.constant 0 : i32
    %dma_wait3A_171 = tpu.memref_slice %arg11[%dma_wait3A_170] : memref<1024xi32, #tpu.memory_space<vmem>> -> memref<1024xi32, #tpu.memory_space<vmem>>
    %dma_wait3A_172 = tpu.memref_slice %arg3[%add3A_113] : memref<320000xi32, #tpu.memory_space<hbm>> -> memref<1024xi32, #tpu.memory_space<hbm>>
    %dma_wait3A_173 = arith.constant 0 : i32
    %dma_wait3A_174 = tpu.memref_slice %arg11[%dma_wait3A_173] : memref<1024xi32, #tpu.memory_space<vmem>> -> memref<1024xi32, #tpu.memory_space<vmem>>
    %dma_wait3A_175 = tpu.memref_slice %arg3[%add3A_113] : memref<320000xi32, #tpu.memory_space<hbm>> -> memref<1024xi32, #tpu.memory_space<hbm>>
    tpu.wait_dma2 semaphore(%arg14 : memref<!tpu.dma_semaphore, #tpu.memory_space<semaphore_mem>>) src(%dma_wait3A_175 : memref<1024xi32, #tpu.memory_space<hbm>>) dst(%dma_wait3A_174 : memref<1024xi32, #tpu.memory_space<vmem>>)
    %dma_wait3A_176 = arith.constant 0 : i32
    %dma_wait3A_177 = arith.constant 0 : i32
    %dma_wait3A_178 = tpu.memref_slice %arg10[%dma_wait3A_176, %dma_wait3A_177] : memref<1024x16xf32, #tpu.memory_space<vmem>> -> memref<1024x16xf32, #tpu.memory_space<vmem>>
    %dma_wait3A_179 = arith.constant 0 : i32
    %dma_wait3A_180 = tpu.memref_slice %arg2[%add3A_121, %dma_wait3A_179] : memref<160000x16xf32, #tpu.memory_space<hbm>> -> memref<1024x16xf32, #tpu.memory_space<hbm>>
    %dma_wait3A_181 = arith.constant 0 : i32
    %dma_wait3A_182 = arith.constant 0 : i32
    %dma_wait3A_183 = tpu.memref_slice %arg10[%dma_wait3A_181, %dma_wait3A_182] : memref<1024x16xf32, #tpu.memory_space<vmem>> -> memref<1024x16xf32, #tpu.memory_space<vmem>>
    %dma_wait3A_184 = arith.constant 0 : i32
    %dma_wait3A_185 = tpu.memref_slice %arg2[%add3A_121, %dma_wait3A_184] : memref<160000x16xf32, #tpu.memory_space<hbm>> -> memref<1024x16xf32, #tpu.memory_space<hbm>>
    tpu.wait_dma2 semaphore(%arg15 : memref<!tpu.dma_semaphore, #tpu.memory_space<semaphore_mem>>) src(%dma_wait3A_185 : memref<1024x16xf32, #tpu.memory_space<hbm>>) dst(%dma_wait3A_183 : memref<1024x16xf32, #tpu.memory_space<vmem>>)
    "tpu.region"() ({
      %run_scoped3A = tpu.sem_alloc : memref<!tpu.dma_semaphore, #tpu.memory_space<semaphore_mem>>
      %dma_start3A_399 = arith.constant 0 : i32
      %dma_start3A_400 = arith.constant 0 : i32
      %dma_start3A_401 = tpu.memref_slice %arg10[%dma_start3A_399, %dma_start3A_400] : memref<1024x16xf32, #tpu.memory_space<vmem>> -> memref<1024x16xf32, #tpu.memory_space<vmem>>
      %dma_start3A_402 = arith.constant 0 : i32
      %dma_start3A_403 = tpu.memref_slice %arg11[%dma_start3A_402] : memref<1024xi32, #tpu.memory_space<vmem>> -> memref<1024xi32, #tpu.memory_space<vmem>>
      %dma_start3A_404 = arith.constant 0 : i32
      %dma_start3A_405 = arith.constant 0 : i32
      %dma_start3A_406 = tpu.memref_slice %arg18[%dma_start3A_404, %dma_start3A_405] : memref<10240x16xf32, #tpu.memory_space<vmem_shared>> -> memref<10240x16xf32, #tpu.memory_space<vmem_shared>>
      tpu.enqueue_indirect_dma source(%dma_start3A_401 : memref<1024x16xf32, #tpu.memory_space<vmem>>) target(%dma_start3A_406 : memref<10240x16xf32, #tpu.memory_space<vmem_shared>>) offsets(%dma_start3A_403 : memref<1024xi32, #tpu.memory_space<vmem>>) semaphore(%run_scoped3A : memref<!tpu.dma_semaphore, #tpu.memory_space<semaphore_mem>>) {add = true}
      %dma_wait3A_407 = arith.constant 0 : i32
      %dma_wait3A_408 = arith.constant 0 : i32
      %dma_wait3A_409 = tpu.memref_slice %arg10[%dma_wait3A_407, %dma_wait3A_408] : memref<1024x16xf32, #tpu.memory_space<vmem>> -> memref<1024x16xf32, #tpu.memory_space<vmem>>
      %dma_wait3A_410 = arith.constant 0 : i32
      %dma_wait3A_411 = tpu.memref_slice %arg11[%dma_wait3A_410] : memref<1024xi32, #tpu.memory_space<vmem>> -> memref<1024xi32, #tpu.memory_space<vmem>>
      %dma_wait3A_412 = arith.constant 0 : i32
      %dma_wait3A_413 = arith.constant 0 : i32
      %dma_wait3A_414 = tpu.memref_slice %arg18[%dma_wait3A_412, %dma_wait3A_413] : memref<10240x16xf32, #tpu.memory_space<vmem_shared>> -> memref<10240x16xf32, #tpu.memory_space<vmem_shared>>
      tpu.wait_indirect_dma semaphore(%run_scoped3A : memref<!tpu.dma_semaphore, #tpu.memory_space<semaphore_mem>>) src(%dma_wait3A_409 : memref<1024x16xf32, #tpu.memory_space<vmem>>) dst(%dma_wait3A_414 : memref<10240x16xf32, #tpu.memory_space<vmem_shared>>)
      tpu.yield
    }) : () -> ()
    %add3A_186 = arith.constant 160000 : i32
    %add3A_187 = arith.addi %add3A_186, %mul3A_13 : i32
    %add3A_188 = arith.constant 0 : i32
    %add3A_189 = arith.addi %add3A_187, %add3A_188 : i32
    %dma_start3A_190 = arith.constant 0 : i32
    %dma_start3A_191 = tpu.memref_slice %arg11[%dma_start3A_190] : memref<1024xi32, #tpu.memory_space<vmem>> -> memref<1024xi32, #tpu.memory_space<vmem>>
    %dma_start3A_192 = tpu.memref_slice %arg5[%add3A_189] : memref<320000xi32, #tpu.memory_space<hbm>> -> memref<1024xi32, #tpu.memory_space<hbm>>
    %dma_start3A_193 = arith.constant 0 : i32
    %dma_start3A_194 = tpu.memref_slice %arg11[%dma_start3A_193] : memref<1024xi32, #tpu.memory_space<vmem>> -> memref<1024xi32, #tpu.memory_space<vmem>>
    %dma_start3A_195 = tpu.memref_slice %arg5[%add3A_189] : memref<320000xi32, #tpu.memory_space<hbm>> -> memref<1024xi32, #tpu.memory_space<hbm>>
    tpu.enqueue_dma source(%dma_start3A_195 : memref<1024xi32, #tpu.memory_space<hbm>>) target(%dma_start3A_194 : memref<1024xi32, #tpu.memory_space<vmem>>) target_semaphore(%arg14 : memref<!tpu.dma_semaphore, #tpu.memory_space<semaphore_mem>>)
    %add3A_196 = arith.constant 0 : i32
    %add3A_197 = arith.addi %mul3A_13, %add3A_196 : i32
    %dma_start3A_198 = arith.constant 0 : i32
    %dma_start3A_199 = arith.constant 0 : i32
    %dma_start3A_200 = tpu.memref_slice %arg10[%dma_start3A_198, %dma_start3A_199] : memref<1024x16xf32, #tpu.memory_space<vmem>> -> memref<1024x16xf32, #tpu.memory_space<vmem>>
    %dma_start3A_201 = arith.constant 0 : i32
    %dma_start3A_202 = tpu.memref_slice %arg4[%add3A_197, %dma_start3A_201] : memref<160000x16xf32, #tpu.memory_space<hbm>> -> memref<1024x16xf32, #tpu.memory_space<hbm>>
    %dma_start3A_203 = arith.constant 0 : i32
    %dma_start3A_204 = arith.constant 0 : i32
    %dma_start3A_205 = tpu.memref_slice %arg10[%dma_start3A_203, %dma_start3A_204] : memref<1024x16xf32, #tpu.memory_space<vmem>> -> memref<1024x16xf32, #tpu.memory_space<vmem>>
    %dma_start3A_206 = arith.constant 0 : i32
    %dma_start3A_207 = tpu.memref_slice %arg4[%add3A_197, %dma_start3A_206] : memref<160000x16xf32, #tpu.memory_space<hbm>> -> memref<1024x16xf32, #tpu.memory_space<hbm>>
    tpu.enqueue_dma source(%dma_start3A_207 : memref<1024x16xf32, #tpu.memory_space<hbm>>) target(%dma_start3A_205 : memref<1024x16xf32, #tpu.memory_space<vmem>>) target_semaphore(%arg15 : memref<!tpu.dma_semaphore, #tpu.memory_space<semaphore_mem>>)
    %dma_wait3A_208 = arith.constant 0 : i32
    %dma_wait3A_209 = tpu.memref_slice %arg9[%dma_wait3A_208] : memref<1024xi32, #tpu.memory_space<vmem>> -> memref<904xi32, #tpu.memory_space<vmem>>
    %dma_wait3A_210 = tpu.memref_slice %arg3[%add3A_151] : memref<320000xi32, #tpu.memory_space<hbm>> -> memref<904xi32, #tpu.memory_space<hbm>>
    %dma_wait3A_211 = arith.constant 0 : i32
    %dma_wait3A_212 = tpu.memref_slice %arg9[%dma_wait3A_211] : memref<1024xi32, #tpu.memory_space<vmem>> -> memref<904xi32, #tpu.memory_space<vmem>>
    %dma_wait3A_213 = tpu.memref_slice %arg3[%add3A_151] : memref<320000xi32, #tpu.memory_space<hbm>> -> memref<904xi32, #tpu.memory_space<hbm>>
    tpu.wait_dma2 semaphore(%arg12 : memref<!tpu.dma_semaphore, #tpu.memory_space<semaphore_mem>>) src(%dma_wait3A_213 : memref<904xi32, #tpu.memory_space<hbm>>) dst(%dma_wait3A_212 : memref<904xi32, #tpu.memory_space<vmem>>)
    %dma_wait3A_214 = arith.constant 0 : i32
    %dma_wait3A_215 = arith.constant 0 : i32
    %dma_wait3A_216 = tpu.memref_slice %arg8[%dma_wait3A_214, %dma_wait3A_215] : memref<1024x16xf32, #tpu.memory_space<vmem>> -> memref<904x16xf32, #tpu.memory_space<vmem>>
    %dma_wait3A_217 = arith.constant 0 : i32
    %dma_wait3A_218 = tpu.memref_slice %arg2[%add3A_159, %dma_wait3A_217] : memref<160000x16xf32, #tpu.memory_space<hbm>> -> memref<904x16xf32, #tpu.memory_space<hbm>>
    %dma_wait3A_219 = arith.constant 0 : i32
    %dma_wait3A_220 = arith.constant 0 : i32
    %dma_wait3A_221 = tpu.memref_slice %arg8[%dma_wait3A_219, %dma_wait3A_220] : memref<1024x16xf32, #tpu.memory_space<vmem>> -> memref<904x16xf32, #tpu.memory_space<vmem>>
    %dma_wait3A_222 = arith.constant 0 : i32
    %dma_wait3A_223 = tpu.memref_slice %arg2[%add3A_159, %dma_wait3A_222] : memref<160000x16xf32, #tpu.memory_space<hbm>> -> memref<904x16xf32, #tpu.memory_space<hbm>>
    tpu.wait_dma2 semaphore(%arg13 : memref<!tpu.dma_semaphore, #tpu.memory_space<semaphore_mem>>) src(%dma_wait3A_223 : memref<904x16xf32, #tpu.memory_space<hbm>>) dst(%dma_wait3A_221 : memref<904x16xf32, #tpu.memory_space<vmem>>)
    "tpu.region"() ({
      %run_scoped3A = tpu.sem_alloc : memref<!tpu.dma_semaphore, #tpu.memory_space<semaphore_mem>>
      %dma_start3A_399 = arith.constant 0 : i32
      %dma_start3A_400 = arith.constant 0 : i32
      %dma_start3A_401 = tpu.memref_slice %arg8[%dma_start3A_399, %dma_start3A_400] : memref<1024x16xf32, #tpu.memory_space<vmem>> -> memref<904x16xf32, #tpu.memory_space<vmem>>
      %dma_start3A_402 = arith.constant 0 : i32
      %dma_start3A_403 = tpu.memref_slice %arg9[%dma_start3A_402] : memref<1024xi32, #tpu.memory_space<vmem>> -> memref<904xi32, #tpu.memory_space<vmem>>
      %dma_start3A_404 = arith.constant 0 : i32
      %dma_start3A_405 = arith.constant 0 : i32
      %dma_start3A_406 = tpu.memref_slice %arg18[%dma_start3A_404, %dma_start3A_405] : memref<10240x16xf32, #tpu.memory_space<vmem_shared>> -> memref<10240x16xf32, #tpu.memory_space<vmem_shared>>
      tpu.enqueue_indirect_dma source(%dma_start3A_401 : memref<904x16xf32, #tpu.memory_space<vmem>>) target(%dma_start3A_406 : memref<10240x16xf32, #tpu.memory_space<vmem_shared>>) offsets(%dma_start3A_403 : memref<904xi32, #tpu.memory_space<vmem>>) semaphore(%run_scoped3A : memref<!tpu.dma_semaphore, #tpu.memory_space<semaphore_mem>>) {add = true}
      %dma_wait3A_407 = arith.constant 0 : i32
      %dma_wait3A_408 = arith.constant 0 : i32
      %dma_wait3A_409 = tpu.memref_slice %arg8[%dma_wait3A_407, %dma_wait3A_408] : memref<1024x16xf32, #tpu.memory_space<vmem>> -> memref<904x16xf32, #tpu.memory_space<vmem>>
      %dma_wait3A_410 = arith.constant 0 : i32
      %dma_wait3A_411 = tpu.memref_slice %arg9[%dma_wait3A_410] : memref<1024xi32, #tpu.memory_space<vmem>> -> memref<904xi32, #tpu.memory_space<vmem>>
      %dma_wait3A_412 = arith.constant 0 : i32
      %dma_wait3A_413 = arith.constant 0 : i32
      %dma_wait3A_414 = tpu.memref_slice %arg18[%dma_wait3A_412, %dma_wait3A_413] : memref<10240x16xf32, #tpu.memory_space<vmem_shared>> -> memref<10240x16xf32, #tpu.memory_space<vmem_shared>>
      tpu.wait_indirect_dma semaphore(%run_scoped3A : memref<!tpu.dma_semaphore, #tpu.memory_space<semaphore_mem>>) src(%dma_wait3A_409 : memref<904x16xf32, #tpu.memory_space<vmem>>) dst(%dma_wait3A_414 : memref<10240x16xf32, #tpu.memory_space<vmem_shared>>)
      tpu.yield
    }) : () -> ()
    %add3A_224 = arith.constant 160000 : i32
    %add3A_225 = arith.addi %add3A_224, %mul3A_13 : i32
    %add3A_226 = arith.constant 1024 : i32
    %add3A_227 = arith.addi %add3A_225, %add3A_226 : i32
    %dma_start3A_228 = arith.constant 0 : i32
    %dma_start3A_229 = tpu.memref_slice %arg9[%dma_start3A_228] : memref<1024xi32, #tpu.memory_space<vmem>> -> memref<1024xi32, #tpu.memory_space<vmem>>
    %dma_start3A_230 = tpu.memref_slice %arg5[%add3A_227] : memref<320000xi32, #tpu.memory_space<hbm>> -> memref<1024xi32, #tpu.memory_space<hbm>>
    %dma_start3A_231 = arith.constant 0 : i32
    %dma_start3A_232 = tpu.memref_slice %arg9[%dma_start3A_231] : memref<1024xi32, #tpu.memory_space<vmem>> -> memref<1024xi32, #tpu.memory_space<vmem>>
    %dma_start3A_233 = tpu.memref_slice %arg5[%add3A_227] : memref<320000xi32, #tpu.memory_space<hbm>> -> memref<1024xi32, #tpu.memory_space<hbm>>
    tpu.enqueue_dma source(%dma_start3A_233 : memref<1024xi32, #tpu.memory_space<hbm>>) target(%dma_start3A_232 : memref<1024xi32, #tpu.memory_space<vmem>>) target_semaphore(%arg12 : memref<!tpu.dma_semaphore, #tpu.memory_space<semaphore_mem>>)
    %add3A_234 = arith.constant 1024 : i32
    %add3A_235 = arith.addi %mul3A_13, %add3A_234 : i32
    %dma_start3A_236 = arith.constant 0 : i32
    %dma_start3A_237 = arith.constant 0 : i32
    %dma_start3A_238 = tpu.memref_slice %arg8[%dma_start3A_236, %dma_start3A_237] : memref<1024x16xf32, #tpu.memory_space<vmem>> -> memref<1024x16xf32, #tpu.memory_space<vmem>>
    %dma_start3A_239 = arith.constant 0 : i32
    %dma_start3A_240 = tpu.memref_slice %arg4[%add3A_235, %dma_start3A_239] : memref<160000x16xf32, #tpu.memory_space<hbm>> -> memref<1024x16xf32, #tpu.memory_space<hbm>>
    %dma_start3A_241 = arith.constant 0 : i32
    %dma_start3A_242 = arith.constant 0 : i32
    %dma_start3A_243 = tpu.memref_slice %arg8[%dma_start3A_241, %dma_start3A_242] : memref<1024x16xf32, #tpu.memory_space<vmem>> -> memref<1024x16xf32, #tpu.memory_space<vmem>>
    %dma_start3A_244 = arith.constant 0 : i32
    %dma_start3A_245 = tpu.memref_slice %arg4[%add3A_235, %dma_start3A_244] : memref<160000x16xf32, #tpu.memory_space<hbm>> -> memref<1024x16xf32, #tpu.memory_space<hbm>>
    tpu.enqueue_dma source(%dma_start3A_245 : memref<1024x16xf32, #tpu.memory_space<hbm>>) target(%dma_start3A_243 : memref<1024x16xf32, #tpu.memory_space<vmem>>) target_semaphore(%arg13 : memref<!tpu.dma_semaphore, #tpu.memory_space<semaphore_mem>>)
    %dma_wait3A_246 = arith.constant 0 : i32
    %dma_wait3A_247 = tpu.memref_slice %arg11[%dma_wait3A_246] : memref<1024xi32, #tpu.memory_space<vmem>> -> memref<1024xi32, #tpu.memory_space<vmem>>
    %dma_wait3A_248 = tpu.memref_slice %arg5[%add3A_189] : memref<320000xi32, #tpu.memory_space<hbm>> -> memref<1024xi32, #tpu.memory_space<hbm>>
    %dma_wait3A_249 = arith.constant 0 : i32
    %dma_wait3A_250 = tpu.memref_slice %arg11[%dma_wait3A_249] : memref<1024xi32, #tpu.memory_space<vmem>> -> memref<1024xi32, #tpu.memory_space<vmem>>
    %dma_wait3A_251 = tpu.memref_slice %arg5[%add3A_189] : memref<320000xi32, #tpu.memory_space<hbm>> -> memref<1024xi32, #tpu.memory_space<hbm>>
    tpu.wait_dma2 semaphore(%arg14 : memref<!tpu.dma_semaphore, #tpu.memory_space<semaphore_mem>>) src(%dma_wait3A_251 : memref<1024xi32, #tpu.memory_space<hbm>>) dst(%dma_wait3A_250 : memref<1024xi32, #tpu.memory_space<vmem>>)
    %dma_wait3A_252 = arith.constant 0 : i32
    %dma_wait3A_253 = arith.constant 0 : i32
    %dma_wait3A_254 = tpu.memref_slice %arg10[%dma_wait3A_252, %dma_wait3A_253] : memref<1024x16xf32, #tpu.memory_space<vmem>> -> memref<1024x16xf32, #tpu.memory_space<vmem>>
    %dma_wait3A_255 = arith.constant 0 : i32
    %dma_wait3A_256 = tpu.memref_slice %arg4[%add3A_197, %dma_wait3A_255] : memref<160000x16xf32, #tpu.memory_space<hbm>> -> memref<1024x16xf32, #tpu.memory_space<hbm>>
    %dma_wait3A_257 = arith.constant 0 : i32
    %dma_wait3A_258 = arith.constant 0 : i32
    %dma_wait3A_259 = tpu.memref_slice %arg10[%dma_wait3A_257, %dma_wait3A_258] : memref<1024x16xf32, #tpu.memory_space<vmem>> -> memref<1024x16xf32, #tpu.memory_space<vmem>>
    %dma_wait3A_260 = arith.constant 0 : i32
    %dma_wait3A_261 = tpu.memref_slice %arg4[%add3A_197, %dma_wait3A_260] : memref<160000x16xf32, #tpu.memory_space<hbm>> -> memref<1024x16xf32, #tpu.memory_space<hbm>>
    tpu.wait_dma2 semaphore(%arg15 : memref<!tpu.dma_semaphore, #tpu.memory_space<semaphore_mem>>) src(%dma_wait3A_261 : memref<1024x16xf32, #tpu.memory_space<hbm>>) dst(%dma_wait3A_259 : memref<1024x16xf32, #tpu.memory_space<vmem>>)
    "tpu.region"() ({
      %run_scoped3A = tpu.sem_alloc : memref<!tpu.dma_semaphore, #tpu.memory_space<semaphore_mem>>
      %dma_start3A_399 = arith.constant 0 : i32
      %dma_start3A_400 = arith.constant 0 : i32
      %dma_start3A_401 = tpu.memref_slice %arg10[%dma_start3A_399, %dma_start3A_400] : memref<1024x16xf32, #tpu.memory_space<vmem>> -> memref<1024x16xf32, #tpu.memory_space<vmem>>
      %dma_start3A_402 = arith.constant 0 : i32
      %dma_start3A_403 = tpu.memref_slice %arg11[%dma_start3A_402] : memref<1024xi32, #tpu.memory_space<vmem>> -> memref<1024xi32, #tpu.memory_space<vmem>>
      %dma_start3A_404 = arith.constant 0 : i32
      %dma_start3A_405 = arith.constant 0 : i32
      %dma_start3A_406 = tpu.memref_slice %arg19[%dma_start3A_404, %dma_start3A_405] : memref<10240x16xf32, #tpu.memory_space<vmem_shared>> -> memref<10240x16xf32, #tpu.memory_space<vmem_shared>>
      tpu.enqueue_indirect_dma source(%dma_start3A_401 : memref<1024x16xf32, #tpu.memory_space<vmem>>) target(%dma_start3A_406 : memref<10240x16xf32, #tpu.memory_space<vmem_shared>>) offsets(%dma_start3A_403 : memref<1024xi32, #tpu.memory_space<vmem>>) semaphore(%run_scoped3A : memref<!tpu.dma_semaphore, #tpu.memory_space<semaphore_mem>>) {add = true}
      %dma_wait3A_407 = arith.constant 0 : i32
      %dma_wait3A_408 = arith.constant 0 : i32
      %dma_wait3A_409 = tpu.memref_slice %arg10[%dma_wait3A_407, %dma_wait3A_408] : memref<1024x16xf32, #tpu.memory_space<vmem>> -> memref<1024x16xf32, #tpu.memory_space<vmem>>
      %dma_wait3A_410 = arith.constant 0 : i32
      %dma_wait3A_411 = tpu.memref_slice %arg11[%dma_wait3A_410] : memref<1024xi32, #tpu.memory_space<vmem>> -> memref<1024xi32, #tpu.memory_space<vmem>>
      %dma_wait3A_412 = arith.constant 0 : i32
      %dma_wait3A_413 = arith.constant 0 : i32
      %dma_wait3A_414 = tpu.memref_slice %arg19[%dma_wait3A_412, %dma_wait3A_413] : memref<10240x16xf32, #tpu.memory_space<vmem_shared>> -> memref<10240x16xf32, #tpu.memory_space<vmem_shared>>
      tpu.wait_indirect_dma semaphore(%run_scoped3A : memref<!tpu.dma_semaphore, #tpu.memory_space<semaphore_mem>>) src(%dma_wait3A_409 : memref<1024x16xf32, #tpu.memory_space<vmem>>) dst(%dma_wait3A_414 : memref<10240x16xf32, #tpu.memory_space<vmem_shared>>)
      tpu.yield
    }) : () -> ()
    %add3A_262 = arith.constant 160000 : i32
    %add3A_263 = arith.addi %add3A_262, %mul3A_13 : i32
    %add3A_264 = arith.constant 2048 : i32
    %add3A_265 = arith.addi %add3A_263, %add3A_264 : i32
    %dma_start3A_266 = arith.constant 0 : i32
    %dma_start3A_267 = tpu.memref_slice %arg11[%dma_start3A_266] : memref<1024xi32, #tpu.memory_space<vmem>> -> memref<1024xi32, #tpu.memory_space<vmem>>
    %dma_start3A_268 = tpu.memref_slice %arg5[%add3A_265] : memref<320000xi32, #tpu.memory_space<hbm>> -> memref<1024xi32, #tpu.memory_space<hbm>>
    %dma_start3A_269 = arith.constant 0 : i32
    %dma_start3A_270 = tpu.memref_slice %arg11[%dma_start3A_269] : memref<1024xi32, #tpu.memory_space<vmem>> -> memref<1024xi32, #tpu.memory_space<vmem>>
    %dma_start3A_271 = tpu.memref_slice %arg5[%add3A_265] : memref<320000xi32, #tpu.memory_space<hbm>> -> memref<1024xi32, #tpu.memory_space<hbm>>
    tpu.enqueue_dma source(%dma_start3A_271 : memref<1024xi32, #tpu.memory_space<hbm>>) target(%dma_start3A_270 : memref<1024xi32, #tpu.memory_space<vmem>>) target_semaphore(%arg14 : memref<!tpu.dma_semaphore, #tpu.memory_space<semaphore_mem>>)
    %add3A_272 = arith.constant 2048 : i32
    %add3A_273 = arith.addi %mul3A_13, %add3A_272 : i32
    %dma_start3A_274 = arith.constant 0 : i32
    %dma_start3A_275 = arith.constant 0 : i32
    %dma_start3A_276 = tpu.memref_slice %arg10[%dma_start3A_274, %dma_start3A_275] : memref<1024x16xf32, #tpu.memory_space<vmem>> -> memref<1024x16xf32, #tpu.memory_space<vmem>>
    %dma_start3A_277 = arith.constant 0 : i32
    %dma_start3A_278 = tpu.memref_slice %arg4[%add3A_273, %dma_start3A_277] : memref<160000x16xf32, #tpu.memory_space<hbm>> -> memref<1024x16xf32, #tpu.memory_space<hbm>>
    %dma_start3A_279 = arith.constant 0 : i32
    %dma_start3A_280 = arith.constant 0 : i32
    %dma_start3A_281 = tpu.memref_slice %arg10[%dma_start3A_279, %dma_start3A_280] : memref<1024x16xf32, #tpu.memory_space<vmem>> -> memref<1024x16xf32, #tpu.memory_space<vmem>>
    %dma_start3A_282 = arith.constant 0 : i32
    %dma_start3A_283 = tpu.memref_slice %arg4[%add3A_273, %dma_start3A_282] : memref<160000x16xf32, #tpu.memory_space<hbm>> -> memref<1024x16xf32, #tpu.memory_space<hbm>>
    tpu.enqueue_dma source(%dma_start3A_283 : memref<1024x16xf32, #tpu.memory_space<hbm>>) target(%dma_start3A_281 : memref<1024x16xf32, #tpu.memory_space<vmem>>) target_semaphore(%arg15 : memref<!tpu.dma_semaphore, #tpu.memory_space<semaphore_mem>>)
    %dma_wait3A_284 = arith.constant 0 : i32
    %dma_wait3A_285 = tpu.memref_slice %arg9[%dma_wait3A_284] : memref<1024xi32, #tpu.memory_space<vmem>> -> memref<1024xi32, #tpu.memory_space<vmem>>
    %dma_wait3A_286 = tpu.memref_slice %arg5[%add3A_227] : memref<320000xi32, #tpu.memory_space<hbm>> -> memref<1024xi32, #tpu.memory_space<hbm>>
    %dma_wait3A_287 = arith.constant 0 : i32
    %dma_wait3A_288 = tpu.memref_slice %arg9[%dma_wait3A_287] : memref<1024xi32, #tpu.memory_space<vmem>> -> memref<1024xi32, #tpu.memory_space<vmem>>
    %dma_wait3A_289 = tpu.memref_slice %arg5[%add3A_227] : memref<320000xi32, #tpu.memory_space<hbm>> -> memref<1024xi32, #tpu.memory_space<hbm>>
    tpu.wait_dma2 semaphore(%arg12 : memref<!tpu.dma_semaphore, #tpu.memory_space<semaphore_mem>>) src(%dma_wait3A_289 : memref<1024xi32, #tpu.memory_space<hbm>>) dst(%dma_wait3A_288 : memref<1024xi32, #tpu.memory_space<vmem>>)
    %dma_wait3A_290 = arith.constant 0 : i32
    %dma_wait3A_291 = arith.constant 0 : i32
    %dma_wait3A_292 = tpu.memref_slice %arg8[%dma_wait3A_290, %dma_wait3A_291] : memref<1024x16xf32, #tpu.memory_space<vmem>> -> memref<1024x16xf32, #tpu.memory_space<vmem>>
    %dma_wait3A_293 = arith.constant 0 : i32
    %dma_wait3A_294 = tpu.memref_slice %arg4[%add3A_235, %dma_wait3A_293] : memref<160000x16xf32, #tpu.memory_space<hbm>> -> memref<1024x16xf32, #tpu.memory_space<hbm>>
    %dma_wait3A_295 = arith.constant 0 : i32
    %dma_wait3A_296 = arith.constant 0 : i32
    %dma_wait3A_297 = tpu.memref_slice %arg8[%dma_wait3A_295, %dma_wait3A_296] : memref<1024x16xf32, #tpu.memory_space<vmem>> -> memref<1024x16xf32, #tpu.memory_space<vmem>>
    %dma_wait3A_298 = arith.constant 0 : i32
    %dma_wait3A_299 = tpu.memref_slice %arg4[%add3A_235, %dma_wait3A_298] : memref<160000x16xf32, #tpu.memory_space<hbm>> -> memref<1024x16xf32, #tpu.memory_space<hbm>>
    tpu.wait_dma2 semaphore(%arg13 : memref<!tpu.dma_semaphore, #tpu.memory_space<semaphore_mem>>) src(%dma_wait3A_299 : memref<1024x16xf32, #tpu.memory_space<hbm>>) dst(%dma_wait3A_297 : memref<1024x16xf32, #tpu.memory_space<vmem>>)
    "tpu.region"() ({
      %run_scoped3A = tpu.sem_alloc : memref<!tpu.dma_semaphore, #tpu.memory_space<semaphore_mem>>
      %dma_start3A_399 = arith.constant 0 : i32
      %dma_start3A_400 = arith.constant 0 : i32
      %dma_start3A_401 = tpu.memref_slice %arg8[%dma_start3A_399, %dma_start3A_400] : memref<1024x16xf32, #tpu.memory_space<vmem>> -> memref<1024x16xf32, #tpu.memory_space<vmem>>
      %dma_start3A_402 = arith.constant 0 : i32
      %dma_start3A_403 = tpu.memref_slice %arg9[%dma_start3A_402] : memref<1024xi32, #tpu.memory_space<vmem>> -> memref<1024xi32, #tpu.memory_space<vmem>>
      %dma_start3A_404 = arith.constant 0 : i32
      %dma_start3A_405 = arith.constant 0 : i32
      %dma_start3A_406 = tpu.memref_slice %arg19[%dma_start3A_404, %dma_start3A_405] : memref<10240x16xf32, #tpu.memory_space<vmem_shared>> -> memref<10240x16xf32, #tpu.memory_space<vmem_shared>>
      tpu.enqueue_indirect_dma source(%dma_start3A_401 : memref<1024x16xf32, #tpu.memory_space<vmem>>) target(%dma_start3A_406 : memref<10240x16xf32, #tpu.memory_space<vmem_shared>>) offsets(%dma_start3A_403 : memref<1024xi32, #tpu.memory_space<vmem>>) semaphore(%run_scoped3A : memref<!tpu.dma_semaphore, #tpu.memory_space<semaphore_mem>>) {add = true}
      %dma_wait3A_407 = arith.constant 0 : i32
      %dma_wait3A_408 = arith.constant 0 : i32
      %dma_wait3A_409 = tpu.memref_slice %arg8[%dma_wait3A_407, %dma_wait3A_408] : memref<1024x16xf32, #tpu.memory_space<vmem>> -> memref<1024x16xf32, #tpu.memory_space<vmem>>
      %dma_wait3A_410 = arith.constant 0 : i32
      %dma_wait3A_411 = tpu.memref_slice %arg9[%dma_wait3A_410] : memref<1024xi32, #tpu.memory_space<vmem>> -> memref<1024xi32, #tpu.memory_space<vmem>>
      %dma_wait3A_412 = arith.constant 0 : i32
      %dma_wait3A_413 = arith.constant 0 : i32
      %dma_wait3A_414 = tpu.memref_slice %arg19[%dma_wait3A_412, %dma_wait3A_413] : memref<10240x16xf32, #tpu.memory_space<vmem_shared>> -> memref<10240x16xf32, #tpu.memory_space<vmem_shared>>
      tpu.wait_indirect_dma semaphore(%run_scoped3A : memref<!tpu.dma_semaphore, #tpu.memory_space<semaphore_mem>>) src(%dma_wait3A_409 : memref<1024x16xf32, #tpu.memory_space<vmem>>) dst(%dma_wait3A_414 : memref<10240x16xf32, #tpu.memory_space<vmem_shared>>)
      tpu.yield
    }) : () -> ()
    %add3A_300 = arith.constant 160000 : i32
    %add3A_301 = arith.addi %add3A_300, %mul3A_13 : i32
    %add3A_302 = arith.constant 3072 : i32
    %add3A_303 = arith.addi %add3A_301, %add3A_302 : i32
    %dma_start3A_304 = arith.constant 0 : i32
    %dma_start3A_305 = tpu.memref_slice %arg9[%dma_start3A_304] : memref<1024xi32, #tpu.memory_space<vmem>> -> memref<1024xi32, #tpu.memory_space<vmem>>
    %dma_start3A_306 = tpu.memref_slice %arg5[%add3A_303] : memref<320000xi32, #tpu.memory_space<hbm>> -> memref<1024xi32, #tpu.memory_space<hbm>>
    %dma_start3A_307 = arith.constant 0 : i32
    %dma_start3A_308 = tpu.memref_slice %arg9[%dma_start3A_307] : memref<1024xi32, #tpu.memory_space<vmem>> -> memref<1024xi32, #tpu.memory_space<vmem>>
    %dma_start3A_309 = tpu.memref_slice %arg5[%add3A_303] : memref<320000xi32, #tpu.memory_space<hbm>> -> memref<1024xi32, #tpu.memory_space<hbm>>
    tpu.enqueue_dma source(%dma_start3A_309 : memref<1024xi32, #tpu.memory_space<hbm>>) target(%dma_start3A_308 : memref<1024xi32, #tpu.memory_space<vmem>>) target_semaphore(%arg12 : memref<!tpu.dma_semaphore, #tpu.memory_space<semaphore_mem>>)
    %add3A_310 = arith.constant 3072 : i32
    %add3A_311 = arith.addi %mul3A_13, %add3A_310 : i32
    %dma_start3A_312 = arith.constant 0 : i32
    %dma_start3A_313 = arith.constant 0 : i32
    %dma_start3A_314 = tpu.memref_slice %arg8[%dma_start3A_312, %dma_start3A_313] : memref<1024x16xf32, #tpu.memory_space<vmem>> -> memref<1024x16xf32, #tpu.memory_space<vmem>>
    %dma_start3A_315 = arith.constant 0 : i32
    %dma_start3A_316 = tpu.memref_slice %arg4[%add3A_311, %dma_start3A_315] : memref<160000x16xf32, #tpu.memory_space<hbm>> -> memref<1024x16xf32, #tpu.memory_space<hbm>>
    %dma_start3A_317 = arith.constant 0 : i32
    %dma_start3A_318 = arith.constant 0 : i32
    %dma_start3A_319 = tpu.memref_slice %arg8[%dma_start3A_317, %dma_start3A_318] : memref<1024x16xf32, #tpu.memory_space<vmem>> -> memref<1024x16xf32, #tpu.memory_space<vmem>>
    %dma_start3A_320 = arith.constant 0 : i32
    %dma_start3A_321 = tpu.memref_slice %arg4[%add3A_311, %dma_start3A_320] : memref<160000x16xf32, #tpu.memory_space<hbm>> -> memref<1024x16xf32, #tpu.memory_space<hbm>>
    tpu.enqueue_dma source(%dma_start3A_321 : memref<1024x16xf32, #tpu.memory_space<hbm>>) target(%dma_start3A_319 : memref<1024x16xf32, #tpu.memory_space<vmem>>) target_semaphore(%arg13 : memref<!tpu.dma_semaphore, #tpu.memory_space<semaphore_mem>>)
    %dma_wait3A_322 = arith.constant 0 : i32
    %dma_wait3A_323 = tpu.memref_slice %arg11[%dma_wait3A_322] : memref<1024xi32, #tpu.memory_space<vmem>> -> memref<1024xi32, #tpu.memory_space<vmem>>
    %dma_wait3A_324 = tpu.memref_slice %arg5[%add3A_265] : memref<320000xi32, #tpu.memory_space<hbm>> -> memref<1024xi32, #tpu.memory_space<hbm>>
    %dma_wait3A_325 = arith.constant 0 : i32
    %dma_wait3A_326 = tpu.memref_slice %arg11[%dma_wait3A_325] : memref<1024xi32, #tpu.memory_space<vmem>> -> memref<1024xi32, #tpu.memory_space<vmem>>
    %dma_wait3A_327 = tpu.memref_slice %arg5[%add3A_265] : memref<320000xi32, #tpu.memory_space<hbm>> -> memref<1024xi32, #tpu.memory_space<hbm>>
    tpu.wait_dma2 semaphore(%arg14 : memref<!tpu.dma_semaphore, #tpu.memory_space<semaphore_mem>>) src(%dma_wait3A_327 : memref<1024xi32, #tpu.memory_space<hbm>>) dst(%dma_wait3A_326 : memref<1024xi32, #tpu.memory_space<vmem>>)
    %dma_wait3A_328 = arith.constant 0 : i32
    %dma_wait3A_329 = arith.constant 0 : i32
    %dma_wait3A_330 = tpu.memref_slice %arg10[%dma_wait3A_328, %dma_wait3A_329] : memref<1024x16xf32, #tpu.memory_space<vmem>> -> memref<1024x16xf32, #tpu.memory_space<vmem>>
    %dma_wait3A_331 = arith.constant 0 : i32
    %dma_wait3A_332 = tpu.memref_slice %arg4[%add3A_273, %dma_wait3A_331] : memref<160000x16xf32, #tpu.memory_space<hbm>> -> memref<1024x16xf32, #tpu.memory_space<hbm>>
    %dma_wait3A_333 = arith.constant 0 : i32
    %dma_wait3A_334 = arith.constant 0 : i32
    %dma_wait3A_335 = tpu.memref_slice %arg10[%dma_wait3A_333, %dma_wait3A_334] : memref<1024x16xf32, #tpu.memory_space<vmem>> -> memref<1024x16xf32, #tpu.memory_space<vmem>>
    %dma_wait3A_336 = arith.constant 0 : i32
    %dma_wait3A_337 = tpu.memref_slice %arg4[%add3A_273, %dma_wait3A_336] : memref<160000x16xf32, #tpu.memory_space<hbm>> -> memref<1024x16xf32, #tpu.memory_space<hbm>>
    tpu.wait_dma2 semaphore(%arg15 : memref<!tpu.dma_semaphore, #tpu.memory_space<semaphore_mem>>) src(%dma_wait3A_337 : memref<1024x16xf32, #tpu.memory_space<hbm>>) dst(%dma_wait3A_335 : memref<1024x16xf32, #tpu.memory_space<vmem>>)
    "tpu.region"() ({
      %run_scoped3A = tpu.sem_alloc : memref<!tpu.dma_semaphore, #tpu.memory_space<semaphore_mem>>
      %dma_start3A_399 = arith.constant 0 : i32
      %dma_start3A_400 = arith.constant 0 : i32
      %dma_start3A_401 = tpu.memref_slice %arg10[%dma_start3A_399, %dma_start3A_400] : memref<1024x16xf32, #tpu.memory_space<vmem>> -> memref<1024x16xf32, #tpu.memory_space<vmem>>
      %dma_start3A_402 = arith.constant 0 : i32
      %dma_start3A_403 = tpu.memref_slice %arg11[%dma_start3A_402] : memref<1024xi32, #tpu.memory_space<vmem>> -> memref<1024xi32, #tpu.memory_space<vmem>>
      %dma_start3A_404 = arith.constant 0 : i32
      %dma_start3A_405 = arith.constant 0 : i32
      %dma_start3A_406 = tpu.memref_slice %arg19[%dma_start3A_404, %dma_start3A_405] : memref<10240x16xf32, #tpu.memory_space<vmem_shared>> -> memref<10240x16xf32, #tpu.memory_space<vmem_shared>>
      tpu.enqueue_indirect_dma source(%dma_start3A_401 : memref<1024x16xf32, #tpu.memory_space<vmem>>) target(%dma_start3A_406 : memref<10240x16xf32, #tpu.memory_space<vmem_shared>>) offsets(%dma_start3A_403 : memref<1024xi32, #tpu.memory_space<vmem>>) semaphore(%run_scoped3A : memref<!tpu.dma_semaphore, #tpu.memory_space<semaphore_mem>>) {add = true}
      %dma_wait3A_407 = arith.constant 0 : i32
      %dma_wait3A_408 = arith.constant 0 : i32
      %dma_wait3A_409 = tpu.memref_slice %arg10[%dma_wait3A_407, %dma_wait3A_408] : memref<1024x16xf32, #tpu.memory_space<vmem>> -> memref<1024x16xf32, #tpu.memory_space<vmem>>
      %dma_wait3A_410 = arith.constant 0 : i32
      %dma_wait3A_411 = tpu.memref_slice %arg11[%dma_wait3A_410] : memref<1024xi32, #tpu.memory_space<vmem>> -> memref<1024xi32, #tpu.memory_space<vmem>>
      %dma_wait3A_412 = arith.constant 0 : i32
      %dma_wait3A_413 = arith.constant 0 : i32
      %dma_wait3A_414 = tpu.memref_slice %arg19[%dma_wait3A_412, %dma_wait3A_413] : memref<10240x16xf32, #tpu.memory_space<vmem_shared>> -> memref<10240x16xf32, #tpu.memory_space<vmem_shared>>
      tpu.wait_indirect_dma semaphore(%run_scoped3A : memref<!tpu.dma_semaphore, #tpu.memory_space<semaphore_mem>>) src(%dma_wait3A_409 : memref<1024x16xf32, #tpu.memory_space<vmem>>) dst(%dma_wait3A_414 : memref<10240x16xf32, #tpu.memory_space<vmem_shared>>)
      tpu.yield
    }) : () -> ()
    %add3A_338 = arith.constant 160000 : i32
    %add3A_339 = arith.addi %add3A_338, %mul3A_13 : i32
    %add3A_340 = arith.constant 4096 : i32
    %add3A_341 = arith.addi %add3A_339, %add3A_340 : i32
    %dma_start3A_342 = arith.constant 0 : i32
    %dma_start3A_343 = tpu.memref_slice %arg11[%dma_start3A_342] : memref<1024xi32, #tpu.memory_space<vmem>> -> memref<904xi32, #tpu.memory_space<vmem>>
    %dma_start3A_344 = tpu.memref_slice %arg5[%add3A_341] : memref<320000xi32, #tpu.memory_space<hbm>> -> memref<904xi32, #tpu.memory_space<hbm>>
    %dma_start3A_345 = arith.constant 0 : i32
    %dma_start3A_346 = tpu.memref_slice %arg11[%dma_start3A_345] : memref<1024xi32, #tpu.memory_space<vmem>> -> memref<904xi32, #tpu.memory_space<vmem>>
    %dma_start3A_347 = tpu.memref_slice %arg5[%add3A_341] : memref<320000xi32, #tpu.memory_space<hbm>> -> memref<904xi32, #tpu.memory_space<hbm>>
    tpu.enqueue_dma source(%dma_start3A_347 : memref<904xi32, #tpu.memory_space<hbm>>) target(%dma_start3A_346 : memref<904xi32, #tpu.memory_space<vmem>>) target_semaphore(%arg14 : memref<!tpu.dma_semaphore, #tpu.memory_space<semaphore_mem>>)
    %add3A_348 = arith.constant 4096 : i32
    %add3A_349 = arith.addi %mul3A_13, %add3A_348 : i32
    %dma_start3A_350 = arith.constant 0 : i32
    %dma_start3A_351 = arith.constant 0 : i32
    %dma_start3A_352 = tpu.memref_slice %arg10[%dma_start3A_350, %dma_start3A_351] : memref<1024x16xf32, #tpu.memory_space<vmem>> -> memref<904x16xf32, #tpu.memory_space<vmem>>
    %dma_start3A_353 = arith.constant 0 : i32
    %dma_start3A_354 = tpu.memref_slice %arg4[%add3A_349, %dma_start3A_353] : memref<160000x16xf32, #tpu.memory_space<hbm>> -> memref<904x16xf32, #tpu.memory_space<hbm>>
    %dma_start3A_355 = arith.constant 0 : i32
    %dma_start3A_356 = arith.constant 0 : i32
    %dma_start3A_357 = tpu.memref_slice %arg10[%dma_start3A_355, %dma_start3A_356] : memref<1024x16xf32, #tpu.memory_space<vmem>> -> memref<904x16xf32, #tpu.memory_space<vmem>>
    %dma_start3A_358 = arith.constant 0 : i32
    %dma_start3A_359 = tpu.memref_slice %arg4[%add3A_349, %dma_start3A_358] : memref<160000x16xf32, #tpu.memory_space<hbm>> -> memref<904x16xf32, #tpu.memory_space<hbm>>
    tpu.enqueue_dma source(%dma_start3A_359 : memref<904x16xf32, #tpu.memory_space<hbm>>) target(%dma_start3A_357 : memref<904x16xf32, #tpu.memory_space<vmem>>) target_semaphore(%arg15 : memref<!tpu.dma_semaphore, #tpu.memory_space<semaphore_mem>>)
    %dma_wait3A_360 = arith.constant 0 : i32
    %dma_wait3A_361 = tpu.memref_slice %arg9[%dma_wait3A_360] : memref<1024xi32, #tpu.memory_space<vmem>> -> memref<1024xi32, #tpu.memory_space<vmem>>
    %dma_wait3A_362 = tpu.memref_slice %arg5[%add3A_303] : memref<320000xi32, #tpu.memory_space<hbm>> -> memref<1024xi32, #tpu.memory_space<hbm>>
    %dma_wait3A_363 = arith.constant 0 : i32
    %dma_wait3A_364 = tpu.memref_slice %arg9[%dma_wait3A_363] : memref<1024xi32, #tpu.memory_space<vmem>> -> memref<1024xi32, #tpu.memory_space<vmem>>
    %dma_wait3A_365 = tpu.memref_slice %arg5[%add3A_303] : memref<320000xi32, #tpu.memory_space<hbm>> -> memref<1024xi32, #tpu.memory_space<hbm>>
    tpu.wait_dma2 semaphore(%arg12 : memref<!tpu.dma_semaphore, #tpu.memory_space<semaphore_mem>>) src(%dma_wait3A_365 : memref<1024xi32, #tpu.memory_space<hbm>>) dst(%dma_wait3A_364 : memref<1024xi32, #tpu.memory_space<vmem>>)
    %dma_wait3A_366 = arith.constant 0 : i32
    %dma_wait3A_367 = arith.constant 0 : i32
    %dma_wait3A_368 = tpu.memref_slice %arg8[%dma_wait3A_366, %dma_wait3A_367] : memref<1024x16xf32, #tpu.memory_space<vmem>> -> memref<1024x16xf32, #tpu.memory_space<vmem>>
    %dma_wait3A_369 = arith.constant 0 : i32
    %dma_wait3A_370 = tpu.memref_slice %arg4[%add3A_311, %dma_wait3A_369] : memref<160000x16xf32, #tpu.memory_space<hbm>> -> memref<1024x16xf32, #tpu.memory_space<hbm>>
    %dma_wait3A_371 = arith.constant 0 : i32
    %dma_wait3A_372 = arith.constant 0 : i32
    %dma_wait3A_373 = tpu.memref_slice %arg8[%dma_wait3A_371, %dma_wait3A_372] : memref<1024x16xf32, #tpu.memory_space<vmem>> -> memref<1024x16xf32, #tpu.memory_space<vmem>>
    %dma_wait3A_374 = arith.constant 0 : i32
    %dma_wait3A_375 = tpu.memref_slice %arg4[%add3A_311, %dma_wait3A_374] : memref<160000x16xf32, #tpu.memory_space<hbm>> -> memref<1024x16xf32, #tpu.memory_space<hbm>>
    tpu.wait_dma2 semaphore(%arg13 : memref<!tpu.dma_semaphore, #tpu.memory_space<semaphore_mem>>) src(%dma_wait3A_375 : memref<1024x16xf32, #tpu.memory_space<hbm>>) dst(%dma_wait3A_373 : memref<1024x16xf32, #tpu.memory_space<vmem>>)
    "tpu.region"() ({
      %run_scoped3A = tpu.sem_alloc : memref<!tpu.dma_semaphore, #tpu.memory_space<semaphore_mem>>
      %dma_start3A_399 = arith.constant 0 : i32
      %dma_start3A_400 = arith.constant 0 : i32
      %dma_start3A_401 = tpu.memref_slice %arg8[%dma_start3A_399, %dma_start3A_400] : memref<1024x16xf32, #tpu.memory_space<vmem>> -> memref<1024x16xf32, #tpu.memory_space<vmem>>
      %dma_start3A_402 = arith.constant 0 : i32
      %dma_start3A_403 = tpu.memref_slice %arg9[%dma_start3A_402] : memref<1024xi32, #tpu.memory_space<vmem>> -> memref<1024xi32, #tpu.memory_space<vmem>>
      %dma_start3A_404 = arith.constant 0 : i32
      %dma_start3A_405 = arith.constant 0 : i32
      %dma_start3A_406 = tpu.memref_slice %arg19[%dma_start3A_404, %dma_start3A_405] : memref<10240x16xf32, #tpu.memory_space<vmem_shared>> -> memref<10240x16xf32, #tpu.memory_space<vmem_shared>>
      tpu.enqueue_indirect_dma source(%dma_start3A_401 : memref<1024x16xf32, #tpu.memory_space<vmem>>) target(%dma_start3A_406 : memref<10240x16xf32, #tpu.memory_space<vmem_shared>>) offsets(%dma_start3A_403 : memref<1024xi32, #tpu.memory_space<vmem>>) semaphore(%run_scoped3A : memref<!tpu.dma_semaphore, #tpu.memory_space<semaphore_mem>>) {add = true}
      %dma_wait3A_407 = arith.constant 0 : i32
      %dma_wait3A_408 = arith.constant 0 : i32
      %dma_wait3A_409 = tpu.memref_slice %arg8[%dma_wait3A_407, %dma_wait3A_408] : memref<1024x16xf32, #tpu.memory_space<vmem>> -> memref<1024x16xf32, #tpu.memory_space<vmem>>
      %dma_wait3A_410 = arith.constant 0 : i32
      %dma_wait3A_411 = tpu.memref_slice %arg9[%dma_wait3A_410] : memref<1024xi32, #tpu.memory_space<vmem>> -> memref<1024xi32, #tpu.memory_space<vmem>>
      %dma_wait3A_412 = arith.constant 0 : i32
      %dma_wait3A_413 = arith.constant 0 : i32
      %dma_wait3A_414 = tpu.memref_slice %arg19[%dma_wait3A_412, %dma_wait3A_413] : memref<10240x16xf32, #tpu.memory_space<vmem_shared>> -> memref<10240x16xf32, #tpu.memory_space<vmem_shared>>
      tpu.wait_indirect_dma semaphore(%run_scoped3A : memref<!tpu.dma_semaphore, #tpu.memory_space<semaphore_mem>>) src(%dma_wait3A_409 : memref<1024x16xf32, #tpu.memory_space<vmem>>) dst(%dma_wait3A_414 : memref<10240x16xf32, #tpu.memory_space<vmem_shared>>)
      tpu.yield
    }) : () -> ()
    %dma_wait3A_376 = arith.constant 0 : i32
    %dma_wait3A_377 = tpu.memref_slice %arg11[%dma_wait3A_376] : memref<1024xi32, #tpu.memory_space<vmem>> -> memref<904xi32, #tpu.memory_space<vmem>>
    %dma_wait3A_378 = tpu.memref_slice %arg5[%add3A_341] : memref<320000xi32, #tpu.memory_space<hbm>> -> memref<904xi32, #tpu.memory_space<hbm>>
    %dma_wait3A_379 = arith.constant 0 : i32
    %dma_wait3A_380 = tpu.memref_slice %arg11[%dma_wait3A_379] : memref<1024xi32, #tpu.memory_space<vmem>> -> memref<904xi32, #tpu.memory_space<vmem>>
    %dma_wait3A_381 = tpu.memref_slice %arg5[%add3A_341] : memref<320000xi32, #tpu.memory_space<hbm>> -> memref<904xi32, #tpu.memory_space<hbm>>
    tpu.wait_dma2 semaphore(%arg14 : memref<!tpu.dma_semaphore, #tpu.memory_space<semaphore_mem>>) src(%dma_wait3A_381 : memref<904xi32, #tpu.memory_space<hbm>>) dst(%dma_wait3A_380 : memref<904xi32, #tpu.memory_space<vmem>>)
    %dma_wait3A_382 = arith.constant 0 : i32
    %dma_wait3A_383 = arith.constant 0 : i32
    %dma_wait3A_384 = tpu.memref_slice %arg10[%dma_wait3A_382, %dma_wait3A_383] : memref<1024x16xf32, #tpu.memory_space<vmem>> -> memref<904x16xf32, #tpu.memory_space<vmem>>
    %dma_wait3A_385 = arith.constant 0 : i32
    %dma_wait3A_386 = tpu.memref_slice %arg4[%add3A_349, %dma_wait3A_385] : memref<160000x16xf32, #tpu.memory_space<hbm>> -> memref<904x16xf32, #tpu.memory_space<hbm>>
    %dma_wait3A_387 = arith.constant 0 : i32
    %dma_wait3A_388 = arith.constant 0 : i32
    %dma_wait3A_389 = tpu.memref_slice %arg10[%dma_wait3A_387, %dma_wait3A_388] : memref<1024x16xf32, #tpu.memory_space<vmem>> -> memref<904x16xf32, #tpu.memory_space<vmem>>
    %dma_wait3A_390 = arith.constant 0 : i32
    %dma_wait3A_391 = tpu.memref_slice %arg4[%add3A_349, %dma_wait3A_390] : memref<160000x16xf32, #tpu.memory_space<hbm>> -> memref<904x16xf32, #tpu.memory_space<hbm>>
    tpu.wait_dma2 semaphore(%arg15 : memref<!tpu.dma_semaphore, #tpu.memory_space<semaphore_mem>>) src(%dma_wait3A_391 : memref<904x16xf32, #tpu.memory_space<hbm>>) dst(%dma_wait3A_389 : memref<904x16xf32, #tpu.memory_space<vmem>>)
    "tpu.region"() ({
      %run_scoped3A = tpu.sem_alloc : memref<!tpu.dma_semaphore, #tpu.memory_space<semaphore_mem>>
      %dma_start3A_399 = arith.constant 0 : i32
      %dma_start3A_400 = arith.constant 0 : i32
      %dma_start3A_401 = tpu.memref_slice %arg10[%dma_start3A_399, %dma_start3A_400] : memref<1024x16xf32, #tpu.memory_space<vmem>> -> memref<904x16xf32, #tpu.memory_space<vmem>>
      %dma_start3A_402 = arith.constant 0 : i32
      %dma_start3A_403 = tpu.memref_slice %arg11[%dma_start3A_402] : memref<1024xi32, #tpu.memory_space<vmem>> -> memref<904xi32, #tpu.memory_space<vmem>>
      %dma_start3A_404 = arith.constant 0 : i32
      %dma_start3A_405 = arith.constant 0 : i32
      %dma_start3A_406 = tpu.memref_slice %arg19[%dma_start3A_404, %dma_start3A_405] : memref<10240x16xf32, #tpu.memory_space<vmem_shared>> -> memref<10240x16xf32, #tpu.memory_space<vmem_shared>>
      tpu.enqueue_indirect_dma source(%dma_start3A_401 : memref<904x16xf32, #tpu.memory_space<vmem>>) target(%dma_start3A_406 : memref<10240x16xf32, #tpu.memory_space<vmem_shared>>) offsets(%dma_start3A_403 : memref<904xi32, #tpu.memory_space<vmem>>) semaphore(%run_scoped3A : memref<!tpu.dma_semaphore, #tpu.memory_space<semaphore_mem>>) {add = true}
      %dma_wait3A_407 = arith.constant 0 : i32
      %dma_wait3A_408 = arith.constant 0 : i32
      %dma_wait3A_409 = tpu.memref_slice %arg10[%dma_wait3A_407, %dma_wait3A_408] : memref<1024x16xf32, #tpu.memory_space<vmem>> -> memref<904x16xf32, #tpu.memory_space<vmem>>
      %dma_wait3A_410 = arith.constant 0 : i32
      %dma_wait3A_411 = tpu.memref_slice %arg11[%dma_wait3A_410] : memref<1024xi32, #tpu.memory_space<vmem>> -> memref<904xi32, #tpu.memory_space<vmem>>
      %dma_wait3A_412 = arith.constant 0 : i32
      %dma_wait3A_413 = arith.constant 0 : i32
      %dma_wait3A_414 = tpu.memref_slice %arg19[%dma_wait3A_412, %dma_wait3A_413] : memref<10240x16xf32, #tpu.memory_space<vmem_shared>> -> memref<10240x16xf32, #tpu.memory_space<vmem_shared>>
      tpu.wait_indirect_dma semaphore(%run_scoped3A : memref<!tpu.dma_semaphore, #tpu.memory_space<semaphore_mem>>) src(%dma_wait3A_409 : memref<904x16xf32, #tpu.memory_space<vmem>>) dst(%dma_wait3A_414 : memref<10240x16xf32, #tpu.memory_space<vmem_shared>>)
      tpu.yield
    }) : () -> ()
    %barrier3A_392 = arith.constant 0 : index
    tpu.barrier barrier_id(%barrier3A_392)
    %scan3A_393 = arith.constant 0 : i32
    %scan3A_394 = arith.constant 0 : i32
    %scan3A_395 = arith.constant 5 : i32
    %scan3A_396 = arith.addi %scan3A_394, %scan3A_395 : i32
    %scan3A_397 = arith.constant 1 : i32
    scf.for %scan3A_399 = %scan3A_394 to %scan3A_396 step %scan3A_397  : i32 {
      %scan3A_400 = arith.constant 0 : i32
      %scan3A_401 = arith.constant 0 : i32
      %scan3A_402 = arith.constant 8 : i32
      %scan3A_403 = arith.addi %scan3A_401, %scan3A_402 : i32
      %scan3A_404 = arith.constant 1 : i32
      scf.for %scan3A_411 = %scan3A_401 to %scan3A_403 step %scan3A_404  : i32 {
        %mul3A_412 = arith.constant 640 : i32
        %mul3A_413 = arith.muli %arg1, %mul3A_412 : i32
        %mul3A_414 = arith.constant 128 : i32
        %mul3A_415 = arith.muli %scan3A_399, %mul3A_414 : i32
        %add3A_416 = arith.addi %mul3A_413, %mul3A_415 : i32
        %mul3A_417 = arith.constant 16 : i32
        %mul3A_418 = arith.muli %scan3A_411, %mul3A_417 : i32
        %add3A_419 = arith.addi %add3A_416, %mul3A_418 : i32
        %iota3A = tpu.iota {dimensions = array<i32: 0>} : vector<16xi32>
        %add3A_420 = vector.broadcast %add3A_419 : i32 to vector<16xi32>
        %add3A_421 = arith.addi %add3A_420, %iota3A : vector<16xi32>
        %mul3A_422 = arith.constant 16 : i32
        %mul3A_423 = arith.muli %scan3A_411, %mul3A_422 : i32
        %swap3A = arith.index_cast %mul3A_423 : i32 to index
        %swap3A_424 = tpu.vector_load %arg16[%swap3A] {strides = array<i32>} : memref<128xi32, #tpu.memory_space<vmem>>, vector<16xi32>,
        %swap3A_425 = vector.shape_cast %swap3A_424 : vector<16xi32> to vector<16xi32>
        %swap3A_426 = vector.shape_cast %add3A_421 : vector<16xi32> to vector<16xi32>
        tpu.vector_store %arg16[%swap3A], %swap3A_426 {strides = array<i32>} : memref<128xi32, #tpu.memory_space<vmem>>, vector<16xi32>,
      }
      %scan3A_405 = arith.constant 8 : i32
      %mul3A_406 = arith.constant 640 : i32
      %mul3A_407 = arith.muli %arg1, %mul3A_406 : i32
      %mul3A_408 = arith.constant 128 : i32
      %mul3A_409 = arith.muli %scan3A_399, %mul3A_408 : i32
      %add3A_410 = arith.addi %mul3A_407, %mul3A_409 : i32
      "tpu.region"() ({
        %run_scoped3A = tpu.sem_alloc : memref<!tpu.dma_semaphore, #tpu.memory_space<semaphore_mem>>
        %dma_start3A_411 = arith.constant 0 : i32
        %dma_start3A_412 = arith.constant 0 : i32
        %dma_start3A_413 = tpu.memref_slice %arg18[%dma_start3A_411, %dma_start3A_412] : memref<10240x16xf32, #tpu.memory_space<vmem_shared>> -> memref<10240x16xf32, #tpu.memory_space<vmem_shared>>
        tpu.enqueue_indirect_dma source(%dma_start3A_413 : memref<10240x16xf32, #tpu.memory_space<vmem_shared>>) target(%arg17 : memref<128x16xf32, #tpu.memory_space<vmem>>) offsets(%arg16 : memref<128xi32, #tpu.memory_space<vmem>>) semaphore(%run_scoped3A : memref<!tpu.dma_semaphore, #tpu.memory_space<semaphore_mem>>)
        %dma_wait3A_414 = arith.constant 0 : i32
        %dma_wait3A_415 = arith.constant 0 : i32
        %dma_wait3A_416 = tpu.memref_slice %arg18[%dma_wait3A_414, %dma_wait3A_415] : memref<10240x16xf32, #tpu.memory_space<vmem_shared>> -> memref<10240x16xf32, #tpu.memory_space<vmem_shared>>
        tpu.wait_indirect_dma semaphore(%run_scoped3A : memref<!tpu.dma_semaphore, #tpu.memory_space<semaphore_mem>>) src(%dma_wait3A_416 : memref<10240x16xf32, #tpu.memory_space<vmem_shared>>) dst(%arg17 : memref<128x16xf32, #tpu.memory_space<vmem>>)
        tpu.yield
      }) : () -> ()
      "tpu.region"() ({
        %run_scoped3A = tpu.sem_alloc : memref<!tpu.dma_semaphore, #tpu.memory_space<semaphore_mem>>
        %dma_start3A_411 = arith.constant 0 : i32
        %dma_start3A_412 = tpu.memref_slice %arg6[%arg0, %add3A_410, %dma_start3A_411] : memref<2x10240x16xf32, #tpu.memory_space<hbm>> -> memref<1x128x16xf32, #tpu.memory_space<hbm>>
        %dma_start3A_413 = tpu.memref_squeeze %dma_start3A_412 : memref<1x128x16xf32, #tpu.memory_space<hbm>> -> memref<128x16xf32, #tpu.memory_space<hbm>>
        %dma_start3A_414 = arith.constant 0 : i32
        %dma_start3A_415 = tpu.memref_slice %arg6[%arg0, %add3A_410, %dma_start3A_414] : memref<2x10240x16xf32, #tpu.memory_space<hbm>> -> memref<1x128x16xf32, #tpu.memory_space<hbm>>
        %dma_start3A_416 = tpu.memref_squeeze %dma_start3A_415 : memref<1x128x16xf32, #tpu.memory_space<hbm>> -> memref<128x16xf32, #tpu.memory_space<hbm>>
        tpu.enqueue_dma source(%arg17 : memref<128x16xf32, #tpu.memory_space<vmem>>) target(%dma_start3A_416 : memref<128x16xf32, #tpu.memory_space<hbm>>) target_semaphore(%run_scoped3A : memref<!tpu.dma_semaphore, #tpu.memory_space<semaphore_mem>>)
        %dma_wait3A_417 = arith.constant 0 : i32
        %dma_wait3A_418 = tpu.memref_slice %arg6[%arg0, %add3A_410, %dma_wait3A_417] : memref<2x10240x16xf32, #tpu.memory_space<hbm>> -> memref<1x128x16xf32, #tpu.memory_space<hbm>>
        %dma_wait3A_419 = tpu.memref_squeeze %dma_wait3A_418 : memref<1x128x16xf32, #tpu.memory_space<hbm>> -> memref<128x16xf32, #tpu.memory_space<hbm>>
        %dma_wait3A_420 = arith.constant 0 : i32
        %dma_wait3A_421 = tpu.memref_slice %arg6[%arg0, %add3A_410, %dma_wait3A_420] : memref<2x10240x16xf32, #tpu.memory_space<hbm>> -> memref<1x128x16xf32, #tpu.memory_space<hbm>>
        %dma_wait3A_422 = tpu.memref_squeeze %dma_wait3A_421 : memref<1x128x16xf32, #tpu.memory_space<hbm>> -> memref<128x16xf32, #tpu.memory_space<hbm>>
        tpu.wait_dma2 semaphore(%run_scoped3A : memref<!tpu.dma_semaphore, #tpu.memory_space<semaphore_mem>>) src(%arg17 : memref<128x16xf32, #tpu.memory_space<vmem>>) dst(%dma_wait3A_422 : memref<128x16xf32, #tpu.memory_space<hbm>>)
        tpu.yield
      }) : () -> ()
      "tpu.region"() ({
        %run_scoped3A = tpu.sem_alloc : memref<!tpu.dma_semaphore, #tpu.memory_space<semaphore_mem>>
        %dma_start3A_411 = arith.constant 0 : i32
        %dma_start3A_412 = arith.constant 0 : i32
        %dma_start3A_413 = tpu.memref_slice %arg19[%dma_start3A_411, %dma_start3A_412] : memref<10240x16xf32, #tpu.memory_space<vmem_shared>> -> memref<10240x16xf32, #tpu.memory_space<vmem_shared>>
        tpu.enqueue_indirect_dma source(%dma_start3A_413 : memref<10240x16xf32, #tpu.memory_space<vmem_shared>>) target(%arg17 : memref<128x16xf32, #tpu.memory_space<vmem>>) offsets(%arg16 : memref<128xi32, #tpu.memory_space<vmem>>) semaphore(%run_scoped3A : memref<!tpu.dma_semaphore, #tpu.memory_space<semaphore_mem>>)
        %dma_wait3A_414 = arith.constant 0 : i32
        %dma_wait3A_415 = arith.constant 0 : i32
        %dma_wait3A_416 = tpu.memref_slice %arg19[%dma_wait3A_414, %dma_wait3A_415] : memref<10240x16xf32, #tpu.memory_space<vmem_shared>> -> memref<10240x16xf32, #tpu.memory_space<vmem_shared>>
        tpu.wait_indirect_dma semaphore(%run_scoped3A : memref<!tpu.dma_semaphore, #tpu.memory_space<semaphore_mem>>) src(%dma_wait3A_416 : memref<10240x16xf32, #tpu.memory_space<vmem_shared>>) dst(%arg17 : memref<128x16xf32, #tpu.memory_space<vmem>>)
        tpu.yield
      }) : () -> ()
      "tpu.region"() ({
        %run_scoped3A = tpu.sem_alloc : memref<!tpu.dma_semaphore, #tpu.memory_space<semaphore_mem>>
        %dma_start3A_411 = arith.constant 0 : i32
        %dma_start3A_412 = tpu.memref_slice %arg7[%arg0, %add3A_410, %dma_start3A_411] : memref<2x10240x16xf32, #tpu.memory_space<hbm>> -> memref<1x128x16xf32, #tpu.memory_space<hbm>>
        %dma_start3A_413 = tpu.memref_squeeze %dma_start3A_412 : memref<1x128x16xf32, #tpu.memory_space<hbm>> -> memref<128x16xf32, #tpu.memory_space<hbm>>
        %dma_start3A_414 = arith.constant 0 : i32
        %dma_start3A_415 = tpu.memref_slice %arg7[%arg0, %add3A_410, %dma_start3A_414] : memref<2x10240x16xf32, #tpu.memory_space<hbm>> -> memref<1x128x16xf32, #tpu.memory_space<hbm>>
        %dma_start3A_416 = tpu.memref_squeeze %dma_start3A_415 : memref<1x128x16xf32, #tpu.memory_space<hbm>> -> memref<128x16xf32, #tpu.memory_space<hbm>>
        tpu.enqueue_dma source(%arg17 : memref<128x16xf32, #tpu.memory_space<vmem>>) target(%dma_start3A_416 : memref<128x16xf32, #tpu.memory_space<hbm>>) target_semaphore(%run_scoped3A : memref<!tpu.dma_semaphore, #tpu.memory_space<semaphore_mem>>)
        %dma_wait3A_417 = arith.constant 0 : i32
        %dma_wait3A_418 = tpu.memref_slice %arg7[%arg0, %add3A_410, %dma_wait3A_417] : memref<2x10240x16xf32, #tpu.memory_space<hbm>> -> memref<1x128x16xf32, #tpu.memory_space<hbm>>
        %dma_wait3A_419 = tpu.memref_squeeze %dma_wait3A_418 : memref<1x128x16xf32, #tpu.memory_space<hbm>> -> memref<128x16xf32, #tpu.memory_space<hbm>>
        %dma_wait3A_420 = arith.constant 0 : i32
        %dma_wait3A_421 = tpu.memref_slice %arg7[%arg0, %add3A_410, %dma_wait3A_420] : memref<2x10240x16xf32, #tpu.memory_space<hbm>> -> memref<1x128x16xf32, #tpu.memory_space<hbm>>
        %dma_wait3A_422 = tpu.memref_squeeze %dma_wait3A_421 : memref<1x128x16xf32, #tpu.memory_space<hbm>> -> memref<128x16xf32, #tpu.memory_space<hbm>>
        tpu.wait_dma2 semaphore(%run_scoped3A : memref<!tpu.dma_semaphore, #tpu.memory_space<semaphore_mem>>) src(%arg17 : memref<128x16xf32, #tpu.memory_space<vmem>>) dst(%dma_wait3A_422 : memref<128x16xf32, #tpu.memory_space<hbm>>)
        tpu.yield
      }) : () -> ()
    }
    %scan3A_398 = arith.constant 5 : i32
    return
  }
}

module attributes {stable_mosaic.version = 14 : i64} {
  func.func @_dense_body(%arg0: i32, %arg1: memref<1000x128xf32, #tpu.memory_space<vmem>>, %arg2: memref<1000x128xf32, #tpu.memory_space<vmem>>, %arg3: memref<2x1000x16xf32, #tpu.memory_space<vmem>>, %arg4: memref<2x1000x16xf32, #tpu.memory_space<vmem>>, %arg5: memref<128x128xf32, #tpu.memory_space<vmem>>, %arg6: memref<1x128xf32, #tpu.memory_space<vmem>>, %arg7: memref<128x128xf32, #tpu.memory_space<vmem>>, %arg8: memref<1x128xf32, #tpu.memory_space<vmem>>, %arg9: memref<16x128xf32, #tpu.memory_space<vmem>>, %arg10: memref<16x128xf32, #tpu.memory_space<vmem>>, %arg11: memref<128x128xf32, #tpu.memory_space<vmem>>, %arg12: memref<1x128xf32, #tpu.memory_space<vmem>>, %arg13: memref<1x128xf32, #tpu.memory_space<vmem>>, %arg14: memref<1x128xf32, #tpu.memory_space<vmem>>, %arg15: memref<128x128xf32, #tpu.memory_space<vmem>>, %arg16: memref<1x128xf32, #tpu.memory_space<vmem>>, %arg17: memref<128x128xf32, #tpu.memory_space<vmem>>, %arg18: memref<1x128xf32, #tpu.memory_space<vmem>>, %arg19: memref<1x128xf32, #tpu.memory_space<vmem>>, %arg20: memref<1x128xf32, #tpu.memory_space<vmem>>, %arg21: memref<128x128xf32, #tpu.memory_space<vmem>>, %arg22: memref<1x128xf32, #tpu.memory_space<vmem>>, %arg23: memref<1000x128xf32, #tpu.memory_space<vmem>>, %arg24: memref<1000x128xf32, #tpu.memory_space<vmem>>) attributes {dimension_semantics = [#tpu.dimension_semantics<parallel>], iteration_bounds = array<i64: 10>, scalar_prefetch = 0 : i64, scratch_operands = 0 : i64, tpu.core_type = #tpu.core_type<tc>, window_params = [{transform_indices = @transform_0, window_bounds = array<i64: 1000, 128>}, {transform_indices = @transform_1, window_bounds = array<i64: 1000, 128>}, {transform_indices = @transform_2, window_bounds = array<i64: 2, 1000, 16>}, {transform_indices = @transform_3, window_bounds = array<i64: 2, 1000, 16>}, {pipeline_mode = #tpu.pipeline_mode<synchronous>, transform_indices = @transform_4, window_bounds = array<i64: 128, 128>}, {pipeline_mode = #tpu.pipeline_mode<synchronous>, transform_indices = @transform_5, window_bounds = array<i64: 1, 128>}, {pipeline_mode = #tpu.pipeline_mode<synchronous>, transform_indices = @transform_6, window_bounds = array<i64: 128, 128>}, {pipeline_mode = #tpu.pipeline_mode<synchronous>, transform_indices = @transform_7, window_bounds = array<i64: 1, 128>}, {pipeline_mode = #tpu.pipeline_mode<synchronous>, transform_indices = @transform_8, window_bounds = array<i64: 16, 128>}, {pipeline_mode = #tpu.pipeline_mode<synchronous>, transform_indices = @transform_9, window_bounds = array<i64: 16, 128>}, {pipeline_mode = #tpu.pipeline_mode<synchronous>, transform_indices = @transform_10, window_bounds = array<i64: 128, 128>}, {pipeline_mode = #tpu.pipeline_mode<synchronous>, transform_indices = @transform_11, window_bounds = array<i64: 1, 128>}, {pipeline_mode = #tpu.pipeline_mode<synchronous>, transform_indices = @transform_12, window_bounds = array<i64: 1, 128>}, {pipeline_mode = #tpu.pipeline_mode<synchronous>, transform_indices = @transform_13, window_bounds = array<i64: 1, 128>}, {pipeline_mode = #tpu.pipeline_mode<synchronous>, transform_indices = @transform_14, window_bounds = array<i64: 128, 128>}, {pipeline_mode = #tpu.pipeline_mode<synchronous>, transform_indices = @transform_15, window_bounds = array<i64: 1, 128>}, {pipeline_mode = #tpu.pipeline_mode<synchronous>, transform_indices = @transform_16, window_bounds = array<i64: 128, 128>}, {pipeline_mode = #tpu.pipeline_mode<synchronous>, transform_indices = @transform_17, window_bounds = array<i64: 1, 128>}, {pipeline_mode = #tpu.pipeline_mode<synchronous>, transform_indices = @transform_18, window_bounds = array<i64: 1, 128>}, {pipeline_mode = #tpu.pipeline_mode<synchronous>, transform_indices = @transform_19, window_bounds = array<i64: 1, 128>}, {pipeline_mode = #tpu.pipeline_mode<synchronous>, transform_indices = @transform_20, window_bounds = array<i64: 128, 128>}, {pipeline_mode = #tpu.pipeline_mode<synchronous>, transform_indices = @transform_21, window_bounds = array<i64: 1, 128>}, {transform_indices = @transform_22, window_bounds = array<i64: 1000, 128>}, {transform_indices = @transform_23, window_bounds = array<i64: 1000, 128>}]} {
    %get3A = arith.constant 0 : index
    %get3A_0 = arith.constant 0 : index
    %get3A_1 = vector.load %arg1[%get3A, %get3A_0] : memref<1000x128xf32, #tpu.memory_space<vmem>>, vector<1000x128xf32>
    %get3A_2 = arith.constant 0 : index
    %get3A_3 = arith.constant 0 : index
    %get3A_4 = vector.load %arg2[%get3A_2, %get3A_3] : memref<1000x128xf32, #tpu.memory_space<vmem>>, vector<1000x128xf32>
    %get3A_5 = arith.constant 0 : index
    %get3A_6 = arith.constant 0 : index
    %get3A_7 = arith.constant 0 : index
    %get3A_8 = vector.load %arg3[%get3A_5, %get3A_6, %get3A_7] : memref<2x1000x16xf32, #tpu.memory_space<vmem>>, vector<1x1000x16xf32>
    %get3A_9 = vector.shape_cast %get3A_8 : vector<1x1000x16xf32> to vector<1000x16xf32>
    %get3A_10 = arith.constant 1 : index
    %get3A_11 = arith.constant 0 : index
    %get3A_12 = arith.constant 0 : index
    %get3A_13 = vector.load %arg3[%get3A_10, %get3A_11, %get3A_12] : memref<2x1000x16xf32, #tpu.memory_space<vmem>>, vector<1x1000x16xf32>
    %get3A_14 = vector.shape_cast %get3A_13 : vector<1x1000x16xf32> to vector<1000x16xf32>
    %add3A = arith.addf %get3A_9, %get3A_14 : vector<1000x16xf32>
    %get3A_15 = arith.constant 0 : index
    %get3A_16 = arith.constant 0 : index
    %get3A_17 = arith.constant 0 : index
    %get3A_18 = vector.load %arg4[%get3A_15, %get3A_16, %get3A_17] : memref<2x1000x16xf32, #tpu.memory_space<vmem>>, vector<1x1000x16xf32>
    %get3A_19 = vector.shape_cast %get3A_18 : vector<1x1000x16xf32> to vector<1000x16xf32>
    %get3A_20 = arith.constant 1 : index
    %get3A_21 = arith.constant 0 : index
    %get3A_22 = arith.constant 0 : index
    %get3A_23 = vector.load %arg4[%get3A_20, %get3A_21, %get3A_22] : memref<2x1000x16xf32, #tpu.memory_space<vmem>>, vector<1x1000x16xf32>
    %get3A_24 = vector.shape_cast %get3A_23 : vector<1x1000x16xf32> to vector<1000x16xf32>
    %add3A_25 = arith.addf %get3A_19, %get3A_24 : vector<1000x16xf32>
    %get3A_26 = arith.constant 0 : index
    %get3A_27 = arith.constant 0 : index
    %get3A_28 = vector.load %arg5[%get3A_26, %get3A_27] : memref<128x128xf32, #tpu.memory_space<vmem>>, vector<128x128xf32>
    %get3A_29 = arith.constant 0 : index
    %get3A_30 = arith.constant 0 : index
    %get3A_31 = vector.load %arg6[%get3A_29, %get3A_30] : memref<1x128xf32, #tpu.memory_space<vmem>>, vector<1x128xf32>
    %get3A_32 = arith.constant 0 : index
    %get3A_33 = arith.constant 0 : index
    %get3A_34 = vector.load %arg10[%get3A_32, %get3A_33] : memref<16x128xf32, #tpu.memory_space<vmem>>, vector<16x128xf32>
    %get3A_35 = arith.constant 0 : index
    %get3A_36 = arith.constant 0 : index
    %get3A_37 = vector.load %arg11[%get3A_35, %get3A_36] : memref<128x128xf32, #tpu.memory_space<vmem>>, vector<128x128xf32>
    %get3A_38 = arith.constant 0 : index
    %get3A_39 = arith.constant 0 : index
    %get3A_40 = vector.load %arg12[%get3A_38, %get3A_39] : memref<1x128xf32, #tpu.memory_space<vmem>>, vector<1x128xf32>
    %get3A_41 = arith.constant 0 : index
    %get3A_42 = arith.constant 0 : index
    %get3A_43 = vector.load %arg13[%get3A_41, %get3A_42] : memref<1x128xf32, #tpu.memory_space<vmem>>, vector<1x128xf32>
    %get3A_44 = arith.constant 0 : index
    %get3A_45 = arith.constant 0 : index
    %get3A_46 = vector.load %arg14[%get3A_44, %get3A_45] : memref<1x128xf32, #tpu.memory_space<vmem>>, vector<1x128xf32>
    %get3A_47 = arith.constant 0 : index
    %get3A_48 = arith.constant 0 : index
    %get3A_49 = vector.load %arg15[%get3A_47, %get3A_48] : memref<128x128xf32, #tpu.memory_space<vmem>>, vector<128x128xf32>
    %get3A_50 = arith.constant 0 : index
    %get3A_51 = arith.constant 0 : index
    %get3A_52 = vector.load %arg16[%get3A_50, %get3A_51] : memref<1x128xf32, #tpu.memory_space<vmem>>, vector<1x128xf32>
    %dot_general3A = arith.constant dense<0.000000e+00> : vector<1000x128xf32>
    %dot_general3A_53 = tpu.matmul %get3A_1, %get3A_28, %dot_general3A {dimension_numbers = #tpu.dot_dimension_numbers<[1], [0], [0], [1], [0, 0, 1, 1], [], []>, transpose_lhs_hint = false} : vector<1000x128xf32>, vector<128x128xf32>, vector<1000x128xf32> -> vector<1000x128xf32>
    %add3A_54 = vector.broadcast %get3A_31 : vector<1x128xf32> to vector<1000x128xf32>
    %add3A_55 = arith.addf %dot_general3A_53, %add3A_54 : vector<1000x128xf32>
    %dot_general3A_56 = arith.constant dense<0.000000e+00> : vector<1000x128xf32>
    %dot_general3A_57 = tpu.matmul %add3A, %get3A_34, %dot_general3A_56 {dimension_numbers = #tpu.dot_dimension_numbers<[1], [0], [0], [1], [0, 0, 1, 1], [], []>, transpose_lhs_hint = false} : vector<1000x16xf32>, vector<16x128xf32>, vector<1000x128xf32> -> vector<1000x128xf32>
    %mul3A = arith.mulf %add3A_55, %dot_general3A_57 : vector<1000x128xf32>
    %dot_general3A_58 = arith.constant dense<0.000000e+00> : vector<1000x128xf32>
    %dot_general3A_59 = tpu.matmul %mul3A, %get3A_37, %dot_general3A_58 {dimension_numbers = #tpu.dot_dimension_numbers<[1], [0], [0], [1], [0, 0, 1, 1], [], []>, transpose_lhs_hint = false} : vector<1000x128xf32>, vector<128x128xf32>, vector<1000x128xf32> -> vector<1000x128xf32>
    %add3A_60 = vector.broadcast %get3A_40 : vector<1x128xf32> to vector<1000x128xf32>
    %add3A_61 = arith.addf %dot_general3A_59, %add3A_60 : vector<1000x128xf32>
    %reduce_sum3A = arith.constant dense<0.000000e+00> : vector<1000xf32>
    %reduce_sum3A_62 = vector.multi_reduction <add>, %add3A_61, %reduce_sum3A [1] : vector<1000x128xf32> to vector<1000xf32>
    %broadcast_in_dim3A = vector.shape_cast %reduce_sum3A_62 : vector<1000xf32> to vector<1000x1xf32>
    %div3A = arith.constant 1.280000e+02 : f32
    %div3A_63 = vector.broadcast %div3A : f32 to vector<1000x1xf32>
    %div3A_64 = arith.divf %broadcast_in_dim3A, %div3A_63 : vector<1000x1xf32>
    %sub3A = vector.broadcast %div3A_64 : vector<1000x1xf32> to vector<1000x128xf32>
    %sub3A_65 = arith.subf %add3A_61, %sub3A : vector<1000x128xf32>
    %mul3A_66 = arith.mulf %sub3A_65, %sub3A_65 : vector<1000x128xf32>
    %reduce_sum3A_67 = arith.constant dense<0.000000e+00> : vector<1000xf32>
    %reduce_sum3A_68 = vector.multi_reduction <add>, %mul3A_66, %reduce_sum3A_67 [1] : vector<1000x128xf32> to vector<1000xf32>
    %broadcast_in_dim3A_69 = vector.shape_cast %reduce_sum3A_68 : vector<1000xf32> to vector<1000x1xf32>
    %div3A_70 = arith.constant 1.280000e+02 : f32
    %div3A_71 = vector.broadcast %div3A_70 : f32 to vector<1000x1xf32>
    %div3A_72 = arith.divf %broadcast_in_dim3A_69, %div3A_71 : vector<1000x1xf32>
    %add3A_73 = arith.constant 9.99999974E-6 : f32
    %add3A_74 = vector.broadcast %add3A_73 : f32 to vector<1000x1xf32>
    %add3A_75 = arith.addf %div3A_72, %add3A_74 : vector<1000x1xf32>
    %rsqrt3A = math.rsqrt %add3A_75 : vector<1000x1xf32>
    %mul3A_76 = vector.broadcast %rsqrt3A : vector<1000x1xf32> to vector<1000x128xf32>
    %mul3A_77 = arith.mulf %sub3A_65, %mul3A_76 : vector<1000x128xf32>
    %mul3A_78 = vector.broadcast %get3A_43 : vector<1x128xf32> to vector<1000x128xf32>
    %mul3A_79 = arith.mulf %mul3A_77, %mul3A_78 : vector<1000x128xf32>
    %add3A_80 = vector.broadcast %get3A_46 : vector<1x128xf32> to vector<1000x128xf32>
    %add3A_81 = arith.addf %mul3A_79, %add3A_80 : vector<1000x128xf32>
    %dot_general3A_82 = arith.constant dense<0.000000e+00> : vector<1000x128xf32>
    %dot_general3A_83 = tpu.matmul %add3A_81, %get3A_49, %dot_general3A_82 {dimension_numbers = #tpu.dot_dimension_numbers<[1], [0], [0], [1], [0, 0, 1, 1], [], []>, transpose_lhs_hint = false} : vector<1000x128xf32>, vector<128x128xf32>, vector<1000x128xf32> -> vector<1000x128xf32>
    %add3A_84 = arith.addf %get3A_1, %dot_general3A_83 : vector<1000x128xf32>
    %add3A_85 = vector.broadcast %get3A_52 : vector<1x128xf32> to vector<1000x128xf32>
    %add3A_86 = arith.addf %add3A_84, %add3A_85 : vector<1000x128xf32>
    %swap3A = arith.constant 0 : index
    %swap3A_87 = arith.constant 0 : index
    %swap3A_88 = vector.load %arg23[%swap3A, %swap3A_87] : memref<1000x128xf32, #tpu.memory_space<vmem>>, vector<1000x128xf32>
    tpu.vector_store %arg23[%swap3A, %swap3A_87], %add3A_86 {strides = array<i32>} : memref<1000x128xf32, #tpu.memory_space<vmem>>, vector<1000x128xf32>,
    %get3A_89 = arith.constant 0 : index
    %get3A_90 = arith.constant 0 : index
    %get3A_91 = vector.load %arg7[%get3A_89, %get3A_90] : memref<128x128xf32, #tpu.memory_space<vmem>>, vector<128x128xf32>
    %get3A_92 = arith.constant 0 : index
    %get3A_93 = arith.constant 0 : index
    %get3A_94 = vector.load %arg8[%get3A_92, %get3A_93] : memref<1x128xf32, #tpu.memory_space<vmem>>, vector<1x128xf32>
    %get3A_95 = arith.constant 0 : index
    %get3A_96 = arith.constant 0 : index
    %get3A_97 = vector.load %arg9[%get3A_95, %get3A_96] : memref<16x128xf32, #tpu.memory_space<vmem>>, vector<16x128xf32>
    %get3A_98 = arith.constant 0 : index
    %get3A_99 = arith.constant 0 : index
    %get3A_100 = vector.load %arg17[%get3A_98, %get3A_99] : memref<128x128xf32, #tpu.memory_space<vmem>>, vector<128x128xf32>
    %get3A_101 = arith.constant 0 : index
    %get3A_102 = arith.constant 0 : index
    %get3A_103 = vector.load %arg18[%get3A_101, %get3A_102] : memref<1x128xf32, #tpu.memory_space<vmem>>, vector<1x128xf32>
    %get3A_104 = arith.constant 0 : index
    %get3A_105 = arith.constant 0 : index
    %get3A_106 = vector.load %arg19[%get3A_104, %get3A_105] : memref<1x128xf32, #tpu.memory_space<vmem>>, vector<1x128xf32>
    %get3A_107 = arith.constant 0 : index
    %get3A_108 = arith.constant 0 : index
    %get3A_109 = vector.load %arg20[%get3A_107, %get3A_108] : memref<1x128xf32, #tpu.memory_space<vmem>>, vector<1x128xf32>
    %get3A_110 = arith.constant 0 : index
    %get3A_111 = arith.constant 0 : index
    %get3A_112 = vector.load %arg21[%get3A_110, %get3A_111] : memref<128x128xf32, #tpu.memory_space<vmem>>, vector<128x128xf32>
    %get3A_113 = arith.constant 0 : index
    %get3A_114 = arith.constant 0 : index
    %get3A_115 = vector.load %arg22[%get3A_113, %get3A_114] : memref<1x128xf32, #tpu.memory_space<vmem>>, vector<1x128xf32>
    %dot_general3A_116 = arith.constant dense<0.000000e+00> : vector<1000x128xf32>
    %dot_general3A_117 = tpu.matmul %get3A_4, %get3A_91, %dot_general3A_116 {dimension_numbers = #tpu.dot_dimension_numbers<[1], [0], [0], [1], [0, 0, 1, 1], [], []>, transpose_lhs_hint = false} : vector<1000x128xf32>, vector<128x128xf32>, vector<1000x128xf32> -> vector<1000x128xf32>
    %add3A_118 = vector.broadcast %get3A_94 : vector<1x128xf32> to vector<1000x128xf32>
    %add3A_119 = arith.addf %dot_general3A_117, %add3A_118 : vector<1000x128xf32>
    %dot_general3A_120 = arith.constant dense<0.000000e+00> : vector<1000x128xf32>
    %dot_general3A_121 = tpu.matmul %add3A_25, %get3A_97, %dot_general3A_120 {dimension_numbers = #tpu.dot_dimension_numbers<[1], [0], [0], [1], [0, 0, 1, 1], [], []>, transpose_lhs_hint = false} : vector<1000x16xf32>, vector<16x128xf32>, vector<1000x128xf32> -> vector<1000x128xf32>
    %mul3A_122 = arith.mulf %add3A_119, %dot_general3A_121 : vector<1000x128xf32>
    %dot_general3A_123 = arith.constant dense<0.000000e+00> : vector<1000x128xf32>
    %dot_general3A_124 = tpu.matmul %mul3A_122, %get3A_100, %dot_general3A_123 {dimension_numbers = #tpu.dot_dimension_numbers<[1], [0], [0], [1], [0, 0, 1, 1], [], []>, transpose_lhs_hint = false} : vector<1000x128xf32>, vector<128x128xf32>, vector<1000x128xf32> -> vector<1000x128xf32>
    %add3A_125 = vector.broadcast %get3A_103 : vector<1x128xf32> to vector<1000x128xf32>
    %add3A_126 = arith.addf %dot_general3A_124, %add3A_125 : vector<1000x128xf32>
    %reduce_sum3A_127 = arith.constant dense<0.000000e+00> : vector<1000xf32>
    %reduce_sum3A_128 = vector.multi_reduction <add>, %add3A_126, %reduce_sum3A_127 [1] : vector<1000x128xf32> to vector<1000xf32>
    %broadcast_in_dim3A_129 = vector.shape_cast %reduce_sum3A_128 : vector<1000xf32> to vector<1000x1xf32>
    %div3A_130 = arith.constant 1.280000e+02 : f32
    %div3A_131 = vector.broadcast %div3A_130 : f32 to vector<1000x1xf32>
    %div3A_132 = arith.divf %broadcast_in_dim3A_129, %div3A_131 : vector<1000x1xf32>
    %sub3A_133 = vector.broadcast %div3A_132 : vector<1000x1xf32> to vector<1000x128xf32>
    %sub3A_134 = arith.subf %add3A_126, %sub3A_133 : vector<1000x128xf32>
    %mul3A_135 = arith.mulf %sub3A_134, %sub3A_134 : vector<1000x128xf32>
    %reduce_sum3A_136 = arith.constant dense<0.000000e+00> : vector<1000xf32>
    %reduce_sum3A_137 = vector.multi_reduction <add>, %mul3A_135, %reduce_sum3A_136 [1] : vector<1000x128xf32> to vector<1000xf32>
    %broadcast_in_dim3A_138 = vector.shape_cast %reduce_sum3A_137 : vector<1000xf32> to vector<1000x1xf32>
    %div3A_139 = arith.constant 1.280000e+02 : f32
    %div3A_140 = vector.broadcast %div3A_139 : f32 to vector<1000x1xf32>
    %div3A_141 = arith.divf %broadcast_in_dim3A_138, %div3A_140 : vector<1000x1xf32>
    %add3A_142 = arith.constant 9.99999974E-6 : f32
    %add3A_143 = vector.broadcast %add3A_142 : f32 to vector<1000x1xf32>
    %add3A_144 = arith.addf %div3A_141, %add3A_143 : vector<1000x1xf32>
    %rsqrt3A_145 = math.rsqrt %add3A_144 : vector<1000x1xf32>
    %mul3A_146 = vector.broadcast %rsqrt3A_145 : vector<1000x1xf32> to vector<1000x128xf32>
    %mul3A_147 = arith.mulf %sub3A_134, %mul3A_146 : vector<1000x128xf32>
    %mul3A_148 = vector.broadcast %get3A_106 : vector<1x128xf32> to vector<1000x128xf32>
    %mul3A_149 = arith.mulf %mul3A_147, %mul3A_148 : vector<1000x128xf32>
    %add3A_150 = vector.broadcast %get3A_109 : vector<1x128xf32> to vector<1000x128xf32>
    %add3A_151 = arith.addf %mul3A_149, %add3A_150 : vector<1000x128xf32>
    %dot_general3A_152 = arith.constant dense<0.000000e+00> : vector<1000x128xf32>
    %dot_general3A_153 = tpu.matmul %add3A_151, %get3A_112, %dot_general3A_152 {dimension_numbers = #tpu.dot_dimension_numbers<[1], [0], [0], [1], [0, 0, 1, 1], [], []>, transpose_lhs_hint = false} : vector<1000x128xf32>, vector<128x128xf32>, vector<1000x128xf32> -> vector<1000x128xf32>
    %add3A_154 = arith.addf %get3A_4, %dot_general3A_153 : vector<1000x128xf32>
    %add3A_155 = vector.broadcast %get3A_115 : vector<1x128xf32> to vector<1000x128xf32>
    %add3A_156 = arith.addf %add3A_154, %add3A_155 : vector<1000x128xf32>
    %swap3A_157 = arith.constant 0 : index
    %swap3A_158 = arith.constant 0 : index
    %swap3A_159 = vector.load %arg24[%swap3A_157, %swap3A_158] : memref<1000x128xf32, #tpu.memory_space<vmem>>, vector<1000x128xf32>
    tpu.vector_store %arg24[%swap3A_157, %swap3A_158], %add3A_156 {strides = array<i32>} : memref<1000x128xf32, #tpu.memory_space<vmem>>, vector<1000x128xf32>,
    return
  }
  func.func @transform_0(%arg0: i32) -> (i32, i32) {
    %c0_i32 = arith.constant 0 : i32
    %c0_i32_0 = arith.constant 0 : i32
    return %arg0, %c0_i32 : i32, i32
  }
  func.func @transform_1(%arg0: i32) -> (i32, i32) {
    %c0_i32 = arith.constant 0 : i32
    %c0_i32_0 = arith.constant 0 : i32
    return %arg0, %c0_i32 : i32, i32
  }
  func.func @transform_2(%arg0: i32) -> (i32, i32, i32) {
    %c0_i32 = arith.constant 0 : i32
    %c0_i32_0 = arith.constant 0 : i32
    %c0_i32_1 = arith.constant 0 : i32
    return %c0_i32, %arg0, %c0_i32_0 : i32, i32, i32
  }
  func.func @transform_3(%arg0: i32) -> (i32, i32, i32) {
    %c0_i32 = arith.constant 0 : i32
    %c0_i32_0 = arith.constant 0 : i32
    %c0_i32_1 = arith.constant 0 : i32
    return %c0_i32, %arg0, %c0_i32_0 : i32, i32, i32
  }
  func.func @transform_4(%arg0: i32) -> (i32, i32) {
    %c0_i32 = arith.constant 0 : i32
    %c0_i32_0 = arith.constant 0 : i32
    %c0_i32_1 = arith.constant 0 : i32
    return %c0_i32, %c0_i32_0 : i32, i32
  }
  func.func @transform_5(%arg0: i32) -> (i32, i32) {
    %c0_i32 = arith.constant 0 : i32
    %c0_i32_0 = arith.constant 0 : i32
    %c0_i32_1 = arith.constant 0 : i32
    return %c0_i32, %c0_i32_0 : i32, i32
  }
  func.func @transform_6(%arg0: i32) -> (i32, i32) {
    %c0_i32 = arith.constant 0 : i32
    %c0_i32_0 = arith.constant 0 : i32
    %c0_i32_1 = arith.constant 0 : i32
    return %c0_i32, %c0_i32_0 : i32, i32
  }
  func.func @transform_7(%arg0: i32) -> (i32, i32) {
    %c0_i32 = arith.constant 0 : i32
    %c0_i32_0 = arith.constant 0 : i32
    %c0_i32_1 = arith.constant 0 : i32
    return %c0_i32, %c0_i32_0 : i32, i32
  }
  func.func @transform_8(%arg0: i32) -> (i32, i32) {
    %c0_i32 = arith.constant 0 : i32
    %c0_i32_0 = arith.constant 0 : i32
    %c0_i32_1 = arith.constant 0 : i32
    return %c0_i32, %c0_i32_0 : i32, i32
  }
  func.func @transform_9(%arg0: i32) -> (i32, i32) {
    %c0_i32 = arith.constant 0 : i32
    %c0_i32_0 = arith.constant 0 : i32
    %c0_i32_1 = arith.constant 0 : i32
    return %c0_i32, %c0_i32_0 : i32, i32
  }
  func.func @transform_10(%arg0: i32) -> (i32, i32) {
    %c0_i32 = arith.constant 0 : i32
    %c0_i32_0 = arith.constant 0 : i32
    %c0_i32_1 = arith.constant 0 : i32
    return %c0_i32, %c0_i32_0 : i32, i32
  }
  func.func @transform_11(%arg0: i32) -> (i32, i32) {
    %c0_i32 = arith.constant 0 : i32
    %c0_i32_0 = arith.constant 0 : i32
    %c0_i32_1 = arith.constant 0 : i32
    return %c0_i32, %c0_i32_0 : i32, i32
  }
  func.func @transform_12(%arg0: i32) -> (i32, i32) {
    %c0_i32 = arith.constant 0 : i32
    %c0_i32_0 = arith.constant 0 : i32
    %c0_i32_1 = arith.constant 0 : i32
    return %c0_i32, %c0_i32_0 : i32, i32
  }
  func.func @transform_13(%arg0: i32) -> (i32, i32) {
    %c0_i32 = arith.constant 0 : i32
    %c0_i32_0 = arith.constant 0 : i32
    %c0_i32_1 = arith.constant 0 : i32
    return %c0_i32, %c0_i32_0 : i32, i32
  }
  func.func @transform_14(%arg0: i32) -> (i32, i32) {
    %c0_i32 = arith.constant 0 : i32
    %c0_i32_0 = arith.constant 0 : i32
    %c0_i32_1 = arith.constant 0 : i32
    return %c0_i32, %c0_i32_0 : i32, i32
  }
  func.func @transform_15(%arg0: i32) -> (i32, i32) {
    %c0_i32 = arith.constant 0 : i32
    %c0_i32_0 = arith.constant 0 : i32
    %c0_i32_1 = arith.constant 0 : i32
    return %c0_i32, %c0_i32_0 : i32, i32
  }
  func.func @transform_16(%arg0: i32) -> (i32, i32) {
    %c0_i32 = arith.constant 0 : i32
    %c0_i32_0 = arith.constant 0 : i32
    %c0_i32_1 = arith.constant 0 : i32
    return %c0_i32, %c0_i32_0 : i32, i32
  }
  func.func @transform_17(%arg0: i32) -> (i32, i32) {
    %c0_i32 = arith.constant 0 : i32
    %c0_i32_0 = arith.constant 0 : i32
    %c0_i32_1 = arith.constant 0 : i32
    return %c0_i32, %c0_i32_0 : i32, i32
  }
  func.func @transform_18(%arg0: i32) -> (i32, i32) {
    %c0_i32 = arith.constant 0 : i32
    %c0_i32_0 = arith.constant 0 : i32
    %c0_i32_1 = arith.constant 0 : i32
    return %c0_i32, %c0_i32_0 : i32, i32
  }
  func.func @transform_19(%arg0: i32) -> (i32, i32) {
    %c0_i32 = arith.constant 0 : i32
    %c0_i32_0 = arith.constant 0 : i32
    %c0_i32_1 = arith.constant 0 : i32
    return %c0_i32, %c0_i32_0 : i32, i32
  }
  func.func @transform_20(%arg0: i32) -> (i32, i32) {
    %c0_i32 = arith.constant 0 : i32
    %c0_i32_0 = arith.constant 0 : i32
    %c0_i32_1 = arith.constant 0 : i32
    return %c0_i32, %c0_i32_0 : i32, i32
  }
  func.func @transform_21(%arg0: i32) -> (i32, i32) {
    %c0_i32 = arith.constant 0 : i32
    %c0_i32_0 = arith.constant 0 : i32
    %c0_i32_1 = arith.constant 0 : i32
    return %c0_i32, %c0_i32_0 : i32, i32
  }
  func.func @transform_22(%arg0: i32) -> (i32, i32) {
    %c0_i32 = arith.constant 0 : i32
    %c0_i32_0 = arith.constant 0 : i32
    return %arg0, %c0_i32 : i32, i32
  }
  func.func @transform_23(%arg0: i32) -> (i32, i32) {
    %c0_i32 = arith.constant 0 : i32
    %c0_i32_0 = arith.constant 0 : i32
    return %arg0, %c0_i32 : i32, i32
  }
}

</mosaic_0001>

<sc_bundles>
// kernel: kernel.4.cloned.1.call-start
scs
__scs_entry_jumppad:
0x0: {  	(pc) =	sbr.rel $0x88, $3  }
0x1: {  	(tag) =	ssettag $0x0;
	lr =	simm.s32 $0x1  }
0x2: {  	[smem:$0x3F89] =	sst lr;
	_ =	strace $0xD0000000  }
0x3: {  	_ = 	snop  }
0x4: {  	_ = 	snop  }
0x5: {  	_ = 	snop  }
0x6: {  	_ = 	snop  }
0x7: {  	_ = 	snop  }
__scs_overlays_trampoline_lowered:
0x8: {  	[smem:$0x3F98] =	sst s0  }
0x9: {  	[smem:$0x3F99] =	sst s1  }
0xa: {  	[smem:$0x3F9A] =	sst s2  }
0xb: {  	[smem:$0x3F9B] =	sst s3  }
0xc: {  	[smem:$0x3F9C] =	sst s4  }
0xd: {  	[smem:$0x3F9D] =	sst s5  }
0xe: {  	[smem:$0x3F9E] =	sst s6  }
0xf: {  	[smem:$0x3F9F] =	sst s7  }
0x10: {  	[smem:$0x3FA0] =	sst s8  }
0x11: {  	[smem:$0x3FA1] =	sst s9;
	s0 =	simm.s32 @!p0 $0x0  }
0x12: {  	s1 =	sld [smem:$0x3F87];
	s0 =	simm.s32 @p0 $0x1  }
0x13: {  	[smem:$0x3FA2] =	sst s0;
	s0 =	simm.s32 @!p1 $0x0  }
0x14: {  	s2 =	sld [smem:$0x3F86];
	s0 =	simm.s32 @p1 $0x1  }
0x15: {  	[smem:$0x3FA3] =	sst s0;
	s0 =	simm.s32 @!p2 $0x0  }
0x16: {  	s3 =	sld [smem:$0x3FDB];
	s0 =	simm.s32 @p2 $0x1  }
0x17: {  	s4 =	simm.s32 $0x1BF5;
	[smem:$0x3FA5] =	sst s0  }
0x18: {  	s0 =	sld [smem:$0x3F88];
	_ =	swait.ge [sflag:s4], $0x0  }
0x19: {  	s7 =	sld [smem:$0x3F89]  }
0x1a: {  	s8 =	sadd.s32 $0xFFFFE003, lr  }
0x1b: {  	s9 =	sadd.s32 $0xFFFFFEF7, lr;
	s5 =	simm.s32 $0xFFFFFFFF;
	p2 =	slt.u32 s8, $0xFFFFF086  }
0x1c: {  	p1 =	slt.u32 s9, $0xF7A;
	s5 =	simm.s32 @!p2 $0x0  }
0x1d: {  	s5 =	simm.s32 @p1 $0x1;
	p0 =	seq.s32 s7, s2  }
0x1e: {  	s7 =	smul.u32 @!p0 $0xF7A, s2;
	p2 =	seq.s32 @!p0 s5, $0x0  }
0x1f: {  	s9 =	smul.u32 $0xF7A, s1;
	s8 =	simm.s32 @!p0 $0x1BF5;
	p2 =	por !p2, p0  }
0x20: {  	[sflag:s8] =	ssyncset.s32 @!p0 $0xFFFFF086;
	s6 =	sadd.s32 @!p0 s3, s7;
	s7 =	simm.s32 @!p0 $0x108  }
0x21: {  	s3 =	sadd.s32 s3, s9;
	s6 =	sadd.s32 @!p0 $0x88, s6;
	s7 =	simm.s32 @p2 $0x1082  }
0x22: {  	[simem:s7], [sflag:s8] =	dma.local @!p0 [hbm:s6], $0xF7A  }
0x23: {  	s9 =	sor.u32 $0xD0000000, s2;
	s6 =	simm.s32 $0x108;
	_ =	swait.ge @!p0 [sflag:s8], $0x0  }
0x24: {  	s3 =	sadd.s32 $0x88, s3;
	s6 =	simm.s32 @!p1 $0x1082;
	[sflag:s4] =	ssyncset.s32 $0xFFFFF086  }
0x25: {  	[simem:s6], [sflag:s4] =	dma.local [hbm:s3], $0xF7A  }
0x26: {  	[smem:$0x3F89] =	sst s1;
	(tag) =	ssettag s2;
	_ =	strace s9  }
0x27: {  	s1 =	sld [smem:$0x3F99]  }
0x28: {  	s2 =	sld [smem:$0x3F9A]  }
0x29: {  	s4 =	sld [smem:$0x3F9C]  }
0x2a: {  	p0 =	seq.s32 s5, $0x0;
	s5 =	sld [smem:$0x3F9D]  }
0x2b: {  	s6 =	sld [smem:$0x3F9E]  }
0x2c: {  	s7 =	sld [smem:$0x3F9F]  }
0x2d: {  	s3 =	simm.s32 $0x108;
	s8 =	sld [smem:$0x3FA0]  }
0x2e: {  	s3 =	simm.s32 @!p0 $0x1082;
	s9 =	sld [smem:$0x3FA1]  }
0x2f: {  	lr =	sadd.s32 s0, s3;
	s0 =	sld [smem:$0x3F98]  }
0x30: {  	s3 =	sld [smem:$0x3F9B]  }
0x31: {  	[smem:$0x3FA4] =	sst s10  }
0x32: {  	s10 =	sld [smem:$0x3FA2];
	_ =	sdelay $0x3  }
0x33: {  	p0 =	seq.s32 s10, $0x1;
	s10 =	sld [smem:$0x3FA4];
	_ =	sdelay $0x3  }
0x34: {  	[smem:$0x3FA4] =	sst s10  }
0x35: {  	s10 =	sld [smem:$0x3FA3];
	_ =	sdelay $0x3  }
0x36: {  	p1 =	seq.s32 s10, $0x1;
	s10 =	sld [smem:$0x3FA4];
	_ =	sdelay $0x3  }
0x37: {  	[smem:$0x3FA4] =	sst s10  }
0x38: {  	s10 =	sld [smem:$0x3FA5]  }
0x39: {  	_ = 	snop;
	(pc) =	sbr.ind lr, $3  }
0x3a: {  	_ = 	snop  }
0x3b: {  	_ = 	snop  }
0x3c: {  	p2 =	seq.s32 s10, $0x1;
	s10 =	sld [smem:$0x3FA4]  }
0x3d: {  	_ =	shalt  }
0x3e: {  	_ =	shalt  }
0x3f: {  	_ =	shalt  }
0x40: {  	_ =	shalt  }
0x41: {  	_ =	shalt  }
0x42: {  	_ =	shalt  }
0x43: {  	_ =	shalt  }
0x44: {  	_ =	shalt  }
0x45: {  	_ =	shalt  }
0x46: {  	_ =	shalt  }
0x47: {  	_ =	shalt  }
0x48: {  	_ =	shalt  }
0x49: {  	_ =	shalt  }
0x4a: {  	_ =	shalt  }
0x4b: {  	_ =	shalt  }
0x4c: {  	_ =	shalt  }
0x4d: {  	_ =	shalt  }
0x4e: {  	_ =	shalt  }
0x4f: {  	_ =	shalt  }
0x50: {  	_ =	shalt  }
0x51: {  	_ =	shalt  }
0x52: {  	_ =	shalt  }
0x53: {  	_ =	shalt  }
0x54: {  	_ =	shalt  }
0x55: {  	_ =	shalt  }
0x56: {  	_ =	shalt  }
0x57: {  	_ =	shalt  }
0x58: {  	_ =	shalt  }
0x59: {  	_ =	shalt  }
0x5a: {  	_ =	shalt  }
0x5b: {  	_ =	shalt  }
0x5c: {  	_ =	shalt  }
0x5d: {  	_ =	shalt  }
0x5e: {  	_ =	shalt  }
0x5f: {  	_ =	shalt  }
0x60: {  	_ =	shalt  }
0x61: {  	_ =	shalt  }
0x62: {  	_ =	shalt  }
0x63: {  	_ =	shalt  }
0x64: {  	_ =	shalt  }
0x65: {  	_ =	shalt  }
0x66: {  	_ =	shalt  }
0x67: {  	_ =	shalt  }
0x68: {  	_ =	shalt  }
0x69: {  	_ =	shalt  }
0x6a: {  	_ =	shalt  }
0x6b: {  	_ =	shalt  }
0x6c: {  	_ =	shalt  }
0x6d: {  	_ =	shalt  }
0x6e: {  	_ =	shalt  }
0x6f: {  	_ =	shalt  }
0x70: {  	_ =	shalt  }
0x71: {  	_ =	shalt  }
0x72: {  	_ =	shalt  }
0x73: {  	_ =	shalt  }
0x74: {  	_ =	shalt  }
0x75: {  	_ =	shalt  }
0x76: {  	_ =	shalt  }
0x77: {  	_ =	shalt  }
0x78: {  	_ =	shalt  }
0x79: {  	_ =	shalt  }
0x7a: {  	_ =	shalt  }
0x7b: {  	_ =	shalt  }
0x7c: {  	_ =	shalt  }
0x7d: {  	_ =	shalt  }
0x7e: {  	_ =	shalt  }
0x7f: {  	_ =	shalt  }
0x80: {  	_ =	shalt  }
0x81: {  	_ =	shalt  }
0x82: {  	_ =	shalt  }
0x83: {  	_ =	shalt  }
0x84: {  	_ =	shalt  }
0x85: {  	_ =	shalt  }
0x86: {  	_ =	shalt  }
0x87: {  	_ =	shalt  }
.Lfunc_end0:
.L_simem_size_0:
called_computation_lowered:
.L_overlay_start_0:
0x88: {  	s2 =	sld [smem:$0x3FD9]  }
0x89: {  	s3 =	sld [smem:$0x3FFE];
	_ =	sdelay $0x1  }
0x8a: {  	s1 =	srdreg.scid  }
0x8b: {  	s0 =	sand.u32 $0x1, s1  }
0x8c: {  	s14 =	sshll.u32 s0, $0xA;
	s2 =	sadd.s32 s3, s2  }
0x8d: {  	s2 =	sadd.s32 s2, s14  }
0x8e: {  	[smem:$0x3FB0] =	sst s2  }
0x8f: {  	_ = 	snop  }
0x90: {  	s2 =	sld [smem:$0x3FD0];
	_ =	sdelay $0x2  }
0x91: {  	s15 =	simm.s32 $0xA;
	s4 =	simm.s32 $0x10  }
0x92: {  	[smem:s4], [sflag:s15] =	dma.local [hbm:s2], $0x1  }
0x93: {  	_ =	swait.eq [sflag:s15], $0x1  }
0x94: {  	[sflag:s15] =	ssyncset.done $0x0  }
0x95: {  	s16 =	sld [smem:$0x10];
	[sflag:s15] =	ssyncadd.s32 $0xFFFFFFFF  }
0x96: {  	s17 =	sld [smem:$0x11];
	(tm) =	ssettm $0x1  }
0x97: {  	s18 =	sld [smem:$0x3FFB];
	_ =	sdelay $0x3  }
0x98: {  	_ =	strace s18  }
0x99: {  	s4 =	sld [smem:$0x3FFC];
	_ =	sdelay $0x3  }
0x9a: {  	_ =	strace s4  }
0x9b: {  	s4 =	sld [smem:$0x3FFD];
	_ =	sdelay $0x3  }
0x9c: {  	_ =	strace s4  }
0x9d: {  	_ =	strace $0x8FFFFFFF  }
0x9e: {  	s19 =	sld [smem:$0x3FDB];
	_ =	sdelay $0x1  }
0x9f: {  	s5 =	simm.s32 $_scs_section_size  }
0xa0: {  	s6 =	simm.s32 $_size__tile_overlayer_lowered;
	s7 =	simm.s32 $_tile_overlayer_lowered  }
0xa1: {  	s22 =	simm.s32 $0x1BFF;
	s21 =	sshll.u32 s7, $0x1;
	s4 =	sadd.s32 s5, s19  }
0xa2: {  	s8 =	simm.s32 $0x0;
	s20 =	sshll.u32 s6, $0x1;
	s6 =	sadd.s32 s21, s4  }
0xa3: {  	[timem:s8], [sflag:s22] =	dma.local [hbm:s6], s20  }
0xa4: {  	_ =	swait.ge [sflag:s22], s20  }
0xa5: {  	s5 =	ssub.s32 $0x0, s20;
	[sflag:s22] =	ssyncset.done $0x0  }
0xa6: {  	[sflag:s22] =	ssyncadd.s32 s5;
	_ =	sdelay $0x1  }
0xa7: {  	s23 =	simm.s32 $0x1B8B  }
0xa8: {  	_ =	swait.ge [sflag:s23], $0x1  }
0xa9: {  	[sflag:s23] =	ssyncset.done $0x0  }
0xaa: {  	s25 =	simm.s32 $0x1B8E;
	s24 =	sld [smem:$0x3FFE];
	[sflag:s23] =	ssyncadd.s32 $0xFFFFFFFF  }
0xab: {  	s26 =	simm.s32 $execute0_lowered;
	[smem:$0x3FD2] =	sst s25  }
0xac: {  	s6 =	sshll.u32 s26, $0x1;
	_ =	strace $0x80000046;
	[dreg:$0x1] =	wrdreg $0xFFFFFFFF  }
0xad: {  	s28 =	simm.s32 $_size_execute0_lowered;
	s4 =	sadd.s32 s4, s6;
	[dreg:$0x0] =	wrdreg $0x0  }
0xae: {  	s6 =	sshll.u32 s28, $0x1;
	[dreg:$0x2] =	wrdreg s4  }
0xaf: {  	[dreg:$0x3] =	wrdreg s6  }
0xb0: {  	[dreg:$0x4] =	wrdreg $0xC0  }
0xb1: {  	_ =	task [dreg:s8], $0x5FFFF  }
0xb2: {  	[dreg:$0x1] =	wrdreg $0xFFFFFFFF  }
0xb3: {  	[dreg:$0x0] =	wrdreg $0x60  }
0xb4: {  	[dreg:$0x2] =	wrdreg s24  }
0xb5: {  	[dreg:$0x3] =	wrdreg s17  }
0xb6: {  	[dreg:$0x4] =	wrdreg s16  }
0xb7: {  	[dreg:$0x5] =	wrdreg $0x90800  }
0xb8: {  	[dreg:$0x6] =	wrdreg $0xB8800  }
0xb9: {  	[dreg:$0x7] =	wrdreg $0x9  }
0xba: {  	_ =	task.clear_ibuf [dreg:s8], $0x8FFFF;
	_ =	strace $0x90000046  }
0xbb: {  	s29 =	simm.s32 $0x9;
	_ =	strace $0x80000048  }
0xbc: {  	_ =	swait.ge [sflag:s29], $0x1  }
0xbd: {  	[sflag:s29] =	ssyncadd.s32 $0xFFFFFFFF  }
0xbe: {  	_ =	strace $0x90000048  }
0xbf: {  	_ =	sfence  }
0xc0: {  	s30 =	sld [smem:$0x0];
	_ =	sdelay $0x2  }
0xc1: {  	s31 =	sshll.u32 s1, $0xD;
	s1 =	sshrl.u32 s1, $0x2  }
0xc2: {  	s3 =	sand.u32 $0x4000, s31;
	s1 =	sadd.s32 s1, s30  }
0xc3: {  	s0 =	sor.u32 s3, s0;
	s1 =	sshll.u32 s1, $0x11  }
0xc4: {  	s0 =	sor.u32 s1, s0  }
0xc5: {  	s0 =	sadd.s32 $0x8F2B, s0  }
0xc6: {  	[sflag:s0] =	ssyncadd.remote.s32 $0x1  }
0xc7: {  	_ =	sfence.sel $0xFFFF  }
0xc8: {  	[dreg:$0x0] =	wrdreg $0xFFFFFFFF;
	(pc) =	sbr.abs _section_cstart, $3  }
0xc9: {  	[dreg:$0x1] =	wrdreg $0xFFFFFFFF  }
0xca: {  	_ =	task.clear_ibuf [dreg:s8], $0x2FFFF;
	_ =	strace $0x9FFFFFFF  }
0xcb: {  	(tm) =	ssettm $0x7FFFFFFF  }
tec
execute0_lowered:
.L_overlay_start_1:
0x0: {  	(tag) =	ssettag $0x1  }
0x1: {  	s0 =	srdreg.scid;
	s2 =	rddreg [dreg:$0x0]  }
0x2: {  	s17 =	stileid.u32;
	s4 =	rddreg [dreg:$0x1]  }
0x3: {  	s1 =	simm.s32 $0x0;
	s0 =	sand.u32 $0x1, s0;
	s3 =	sshll.u32 s17, $0x1  }
0x4: {  	[smem:$0x7FF] =	sst s1;
	s3 =	sor.u32 s0, s3  }
0x5: {  	s5 =	sadd.s32 $0x2C4000, s2;
	s7 =	sadd.s32 $0xEC00, s2;
	s6 =	smul.u32 $0x1388, s3  }
0x6: {  	s8 =	sadd.s32 $0x275E00, s2;
	s9 =	ssub.s32 $0x2, s0;
	s10 =	smul.u32 $0x13880, s3  }
0x7: {  	s2 =	sadd.s32 $0x4E00, s2;
	s11 =	sshrl.u32 s9, $0x1;
	s3 =	smul.u32 $0x2710, s3  }
0x8: {  	s9 =	ssub.s32 s9, s11;
	s6 =	sshrl.u32 s6, $0x3;
	s10 =	sshrl.u32 s10, $0x3  }
0x9: {  	s20 =	sadd.s32 s5, s3;
	s3 =	sadd.s32 s8, s3;
	s12 =	sadd.s32 $0x4E20, s6  }
0xa: {  	[dreg:$0x7] =	wrdreg s20;
	s21 =	sadd.s32 $0x4EA0, s6;
	s23 =	sadd.s32 $0x4F20, s6  }
0xb: {  	[dreg:$0x15] =	wrdreg s3;
	s19 =	sadd.s32 s7, s12;
	s14 =	sadd.s32 s7, s21  }
0xc: {  	s15 =	sadd.s32 s7, s23;
	s11 =	sadd.s32 s2, s21;
	s21 =	rddreg [dreg:$0x3]  }
0xd: {  	s26 =	sadd.s32 s2, s12;
	s12 =	sadd.s32 s2, s23;
	s23 =	rddreg [dreg:$0x4]  }
0xe: {  	s13 =	sadd.s32 $0x800, s10;
	[dreg:$0x6] =	wrdreg s19  }
0xf: {  	s22 =	sadd.s32 s5, s13;
	[dreg:$0x8] =	wrdreg s14  }
0x10: {  	s24 =	sadd.s32 $0x1000, s10;
	[dreg:$0x9] =	wrdreg s22  }
0x11: {  	s16 =	sadd.s32 $0x4FA0, s6;
	s18 =	sadd.s32 s5, s24;
	[dreg:$0xa] =	wrdreg s15  }
0x12: {  	s6 =	sadd.s32 $0x5020, s6;
	s25 =	sadd.s32 s7, s16;
	[dreg:$0xb] =	wrdreg s18  }
0x13: {  	s7 =	sadd.s32 s7, s6;
	[dreg:$0xc] =	wrdreg s25  }
0x14: {  	s30 =	simm.s32 $0x80;
	s29 =	smul.u32 $0x280, s17;
	[dreg:$0xd] =	wrdreg s7  }
0x15: {  	s31 =	simm.s32 $0x8800;
	s0 =	smul.u32 $0x28000, s0;
	[dreg:$0xe] =	wrdreg s26  }
0x16: {  	s28 =	smax.u32 s9, $0x1;
	s9 =	simm.s32 $0x4;
	[dreg:$0xf] =	wrdreg s11  }
0x17: {  	s20 =	sadd.s32 $0x2000, s10;
	s16 =	sadd.s32 s2, s16;
	[dreg:$0x10] =	wrdreg s12  }
0x18: {  	s3 =	simm.s32 $0x8400;
	s2 =	sadd.s32 s2, s6;
	[dreg:$0x11] =	wrdreg s16  }
0x19: {  	s6 =	simm.s32 $0x2;
	s14 =	smul.u32 $0x2800, s17;
	[dreg:$0x12] =	wrdreg s2  }
0x1a: {  	s18 =	sadd.s32 $0x1800, s10;
	s22 =	rddreg [dreg:$0x2];
	s25 =	sadd.s32 s8, s13  }
0x1b: {  	s26 =	sadd.s32 s8, s24;
	s24 =	sadd.s32 s8, s20;
	s7 =	simm.s32 $0x400  }
0x1c: {  	s10 =	simm.s32 $0x388;
	s11 =	simm.s32 $0x0;
	[dreg:$0x16] =	wrdreg s25  }
0x1d: {  	s19 =	sadd.s32 s5, s18;
	s5 =	sadd.s32 s5, s20;
	[dreg:$0x17] =	wrdreg s26  }
0x1e: {  	s2 =	sadd.s32 s8, s18;
	s20 =	simm.s32 $0x8880;
	[dreg:$0x13] =	wrdreg s19  }
0x1f: {  	s8 =	simm.s32 $0x3;
	s0 =	sadd.s32 s14, s0;
	[dreg:$0x14] =	wrdreg s5  }
0x20: {  	[dreg:$0x18] =	wrdreg s2;
	s2 =	simm.s32 $0x4000;
	s0 =	sshrl.u32 s0, $0x3  }
0x21: {  	s5 =	simm.s32 $0x1;
	_ =	strace $0x80000047;
	s14 =	sadd.s32 s0, s22  }
0x22: {  	v0 =	vimm.f32 $0.0e+00;
	v1 =	vlaneseq.u32;
	s15 =	sadd.s32 s0, s4;
	s0 =	simm.s32 $0x5;
	s4 =	simm.s32 $0x4400  }
.LBB2_1:
0x23: {  	s12 =	simm.s32 $0x0  }
.LBB2_2:
0x24: {  	p0 =	sne.s32 s12, $0x1FC0  }
.Ltmp0:
0x25: {  	_ = 	snop;
	(pc) =	sbr.rel @p0 .LBB2_2-.Ltmp0, $3  }
0x26: {  	_ =	sdelay $0x1  }
0x27: {  	s13 =	sshra.s32 s12, $0x2  }
0x28: {  	s12 =	sadd.s32 $0x40, s12;
	[tilespmem:s13+$0x8880] =	vst v0  }
0x29: {  	s12 =	sadd.s32 $0x0, s29  }
0x2a: {  	v2 =	vor.u32 s12, v1;
	s13 =	sadd.s32 $0x10, s12  }
0x2b: {  	s25 =	sadd.s32 $0x20, s12;
	[tilespmem:$0x8800] =	vst v2;
	v2 =	vor.u32 s13, v1  }
0x2c: {  	s18 =	sadd.s32 $0x70, s12;
	v3 =	vor.u32 s25, v1;
	[tilespmem:$0x8810] =	vst v2  }
0x2d: {  	s22 =	sadd.s32 $0x40, s12;
	v2 =	vor.u32 s18, v1;
	[tilespmem:$0x8820] =	vst v3  }
0x2e: {  	s19 =	sadd.s32 $0x50, s12;
	v3 =	vor.u32 s22, v1;
	[tilespmem:$0x8870] =	vst v2  }
0x2f: {  	s26 =	sadd.s32 $0x30, s12;
	s12 =	sadd.s32 $0x60, s12;
	v2 =	vor.u32 s19, v1;
	[tilespmem:$0x8840] =	vst v3  }
0x30: {  	v3 =	vor.u32 s12, v1;
	[tilespmem:$0x8850] =	vst v2  }
0x31: {  	v2 =	vor.u32 s26, v1;
	[tilespmem:$0x8860] =	vst v3  }
0x32: {  	s12 =	simm.s32 $0x80;
	[tilespmem:$0x8830] =	vst v2  }
0x33: {  	[spmem:s21] =	stream.indirect.scatter [tilespmem:s20], [sflag:$0x5], $0x10, s31, s30, $0xb8;
	[tilespmem:$0xE080] =	vst v63  }
.LBB2_4:
0x34: {  	p0 =	sne.s32 s12, $0x200  }
0x35: {  	_ =	swait.ge [sflag:s0], $0x800;
	s13 =	smov.u32 s12;
	s12 =	sadd.s32 $0x80, s12  }
0x36: {  	[sflag:s0] =	ssyncset.done $0x0  }
0x37: {  	[sflag:s0] =	ssyncadd.s32 $0xFFFFF800  }
0x38: {  	[spmem:s23] =	stream.indirect.scatter [tilespmem:s20], [sflag:$0x5], $0x10, s31, s30, $0xb8;
	[tilespmem:$0xE080] =	vst v63  }
0x39: {  	_ =	swait.ge [sflag:s0], $0x800  }
0x3a: {  	s13 =	sadd.s32 s13, s29;
	[sflag:s0] =	ssyncset.done $0x0  }
0x3b: {  	v2 =	vor.u32 s13, v1;
	s25 =	sadd.s32 $0x10, s13;
	s26 =	sadd.s32 $0x20, s13;
	[sflag:s0] =	ssyncadd.s32 $0xFFFFF800  }
0x3c: {  	s16 =	sadd.s32 $0x70, s13;
	v3 =	vor.u32 s26, v1;
	s26 =	sadd.s32 $0x50, s13;
	[tilespmem:$0x8800] =	vst v2;
	v2 =	vor.u32 s25, v1;
	s25 =	sadd.s32 $0x40, s13  }
0x3d: {  	s17 =	sadd.s32 $0x30, s13;
	v5 =	vor.u32 s16, v1;
	v4 =	vor.u32 s26, v1;
	s13 =	sadd.s32 $0x60, s13;
	[tilespmem:$0x8810] =	vst v2;
	v2 =	vor.u32 s25, v1  }
0x3e: {  	v6 =	vor.u32 s17, v1;
	v7 =	vor.u32 s13, v1;
	[tilespmem:$0x8870] =	vst v5  }
0x3f: {  	[tilespmem:$0x8820] =	vst v3  }
.Ltmp1:
0x40: {  	[tilespmem:$0x8850] =	vst v4;
	(pc) =	sbr.rel @p0 .LBB2_4-.Ltmp1, $4  }
0x41: {  	[tilespmem:$0x8840] =	vst v2  }
0x42: {  	[tilespmem:$0x8830] =	vst v6  }
0x43: {  	[tilespmem:$0x8860] =	vst v7  }
0x44: {  	[spmem:s21] =	stream.indirect.scatter [tilespmem:s20], [sflag:$0x5], $0x10, s31, s30, $0xb8;
	[tilespmem:$0xE080] =	vst v63  }
0x45: {  	_ =	swait.ge [sflag:s0], $0x800  }
0x46: {  	[sflag:s0] =	ssyncset.done $0x0  }
0x47: {  	[sflag:s0] =	ssyncadd.s32 $0xFFFFF800  }
0x48: {  	[spmem:s23] =	stream.indirect.scatter [tilespmem:s20], [sflag:$0x5], $0x10, s31, s30, $0xb8;
	[tilespmem:$0xE080] =	vst v63  }
0x49: {  	_ =	swait.ge [sflag:s0], $0x800  }
0x4a: {  	[sflag:s0] =	ssyncset.done $0x0  }
0x4b: {  	[sflag:s0] =	ssyncadd.s32 $0xFFFFF800  }
0x4c: {  	[bflag:$0x0] =	sbarrier.arrive $0xFFFF  }
0x4d: {  	s12 =	simm.s32 $0x0;
	s13 =	rddreg [dreg:$0x6]  }
0x4e: {  	[tilespmem:s2], [sflag:$0x1] =	stream.linear.gather [hbm4b:s13+s12], $0x400, $0x38;
	[tilespmem:$0xE080] =	vst v63  }
0x4f: {  	s22 =	rddreg [dreg:$0x7]  }
0x50: {  	[tilespmem:s12], [sflag:$0x2] =	stream.linear.gather [hbm4b:s22+s12], $0x4000, $0x38;
	[tilespmem:$0xE080] =	vst v63  }
0x51: {  	s25 =	rddreg [dreg:$0x8]  }
0x52: {  	[tilespmem:s3], [sflag:$0x3] =	stream.linear.gather [hbm4b:s25+s12], $0x400, $0x38;
	[tilespmem:$0xE080] =	vst v63  }
0x53: {  	s26 =	rddreg [dreg:$0x9]  }
0x54: {  	[tilespmem:s4], [sflag:$0x4] =	stream.linear.gather [hbm4b:s26+s12], $0x4000, $0x38;
	[tilespmem:$0xE080] =	vst v63  }
0x55: {  	_ =	swait.ge [sflag:s5], $0x400  }
0x56: {  	[sflag:s5] =	ssyncset.done $0x0  }
0x57: {  	[sflag:s5] =	ssyncadd.s32 $0xFFFFFC00  }
0x58: {  	_ =	swait.ge [sflag:s6], $0x4000  }
0x59: {  	[sflag:s6] =	ssyncset.done $0x0  }
0x5a: {  	[sflag:s6] =	ssyncadd.s32 $0xFFFFC000  }
0x5b: {  	[spmem:s21] =	stream.indirect.scatter.add.f32 [tilespmem:s12], [sflag:$0x5], $0x10, s2, s7, $0xb8;
	[tilespmem:$0xE080] =	vst v63  }
0x5c: {  	_ =	swait.ge [sflag:s0], $0x4000  }
0x5d: {  	[sflag:s0] =	ssyncset.done $0x0  }
0x5e: {  	s16 =	rddreg [dreg:$0xa];
	[sflag:s0] =	ssyncadd.s32 $0xFFFFC000  }
0x5f: {  	[tilespmem:s2], [sflag:$0x1] =	stream.linear.gather [hbm4b:s16+s12], $0x400, $0x38;
	[tilespmem:$0xE080] =	vst v63  }
0x60: {  	s17 =	rddreg [dreg:$0xb]  }
0x61: {  	[tilespmem:s12], [sflag:$0x2] =	stream.linear.gather [hbm4b:s17+s12], $0x4000, $0x38;
	[tilespmem:$0xE080] =	vst v63  }
0x62: {  	_ =	swait.ge [sflag:s8], $0x400  }
0x63: {  	[sflag:s8] =	ssyncset.done $0x0  }
0x64: {  	[sflag:s8] =	ssyncadd.s32 $0xFFFFFC00  }
0x65: {  	_ =	swait.ge [sflag:s9], $0x4000  }
0x66: {  	[sflag:s9] =	ssyncset.done $0x0  }
0x67: {  	[sflag:s9] =	ssyncadd.s32 $0xFFFFC000  }
0x68: {  	[spmem:s21] =	stream.indirect.scatter.add.f32 [tilespmem:s4], [sflag:$0x5], $0x10, s3, s7, $0xb8;
	[tilespmem:$0xE080] =	vst v63  }
0x69: {  	_ =	swait.ge [sflag:s0], $0x4000  }
0x6a: {  	[sflag:s0] =	ssyncset.done $0x0  }
0x6b: {  	s18 =	rddreg [dreg:$0xc];
	[sflag:s0] =	ssyncadd.s32 $0xFFFFC000  }
0x6c: {  	[tilespmem:s3], [sflag:$0x3] =	stream.linear.gather [hbm4b:s18+s12], $0x400, $0x38;
	[tilespmem:$0xE080] =	vst v63  }
0x6d: {  	s19 =	rddreg [dreg:$0x13]  }
0x6e: {  	[tilespmem:s4], [sflag:$0x4] =	stream.linear.gather [hbm4b:s19+s12], $0x4000, $0x38;
	[tilespmem:$0xE080] =	vst v63  }
0x6f: {  	_ =	swait.ge [sflag:s5], $0x400  }
0x70: {  	[sflag:s5] =	ssyncset.done $0x0  }
0x71: {  	[sflag:s5] =	ssyncadd.s32 $0xFFFFFC00  }
0x72: {  	_ =	swait.ge [sflag:s6], $0x4000  }
0x73: {  	[sflag:s6] =	ssyncset.done $0x0  }
0x74: {  	[sflag:s6] =	ssyncadd.s32 $0xFFFFC000  }
0x75: {  	[spmem:s21] =	stream.indirect.scatter.add.f32 [tilespmem:s12], [sflag:$0x5], $0x10, s2, s7, $0xb8;
	[tilespmem:$0xE080] =	vst v63  }
0x76: {  	_ =	swait.ge [sflag:s0], $0x4000  }
0x77: {  	[sflag:s0] =	ssyncset.done $0x0  }
0x78: {  	s22 =	rddreg [dreg:$0xd];
	[sflag:s0] =	ssyncadd.s32 $0xFFFFC000  }
0x79: {  	[tilespmem:s2], [sflag:$0x1] =	stream.linear.gather [hbm4b:s22+s12], $0x388, $0x38;
	[tilespmem:$0xE080] =	vst v63  }
0x7a: {  	s25 =	rddreg [dreg:$0x14]  }
0x7b: {  	[tilespmem:s12], [sflag:$0x2] =	stream.linear.gather [hbm4b:s25+s12], $0x3880, $0x38;
	[tilespmem:$0xE080] =	vst v63  }
0x7c: {  	_ =	swait.ge [sflag:s8], $0x400  }
0x7d: {  	[sflag:s8] =	ssyncset.done $0x0  }
0x7e: {  	[sflag:s8] =	ssyncadd.s32 $0xFFFFFC00  }
0x7f: {  	_ =	swait.ge [sflag:s9], $0x4000  }
0x80: {  	[sflag:s9] =	ssyncset.done $0x0  }
0x81: {  	[sflag:s9] =	ssyncadd.s32 $0xFFFFC000  }
0x82: {  	[spmem:s21] =	stream.indirect.scatter.add.f32 [tilespmem:s4], [sflag:$0x5], $0x10, s3, s7, $0xb8;
	[tilespmem:$0xE080] =	vst v63  }
0x83: {  	_ =	swait.ge [sflag:s0], $0x4000  }
0x84: {  	[sflag:s0] =	ssyncset.done $0x0  }
0x85: {  	s26 =	rddreg [dreg:$0xe];
	[sflag:s0] =	ssyncadd.s32 $0xFFFFC000  }
0x86: {  	[tilespmem:s3], [sflag:$0x3] =	stream.linear.gather [hbm4b:s26+s12], $0x400, $0x38;
	[tilespmem:$0xE080] =	vst v63  }
0x87: {  	s16 =	rddreg [dreg:$0x15]  }
0x88: {  	[tilespmem:s4], [sflag:$0x4] =	stream.linear.gather [hbm4b:s16+s12], $0x4000, $0x38;
	[tilespmem:$0xE080] =	vst v63  }
0x89: {  	_ =	swait.ge [sflag:s5], $0x388  }
0x8a: {  	[sflag:s5] =	ssyncset.done $0x0  }
0x8b: {  	[sflag:s5] =	ssyncadd.s32 $0xFFFFFC78  }
0x8c: {  	_ =	swait.ge [sflag:s6], $0x3880  }
0x8d: {  	[sflag:s6] =	ssyncset.done $0x0  }
0x8e: {  	[sflag:s6] =	ssyncadd.s32 $0xFFFFC780  }
0x8f: {  	[spmem:s21] =	stream.indirect.scatter.add.f32 [tilespmem:s12], [sflag:$0x5], $0x10, s2, s10, $0xb8;
	[tilespmem:$0xE080] =	vst v63  }
0x90: {  	_ =	swait.ge [sflag:s0], $0x3880  }
0x91: {  	[sflag:s0] =	ssyncset.done $0x0  }
0x92: {  	s17 =	rddreg [dreg:$0xf];
	[sflag:s0] =	ssyncadd.s32 $0xFFFFC780  }
0x93: {  	[tilespmem:s2], [sflag:$0x1] =	stream.linear.gather [hbm4b:s17+s12], $0x400, $0x38;
	[tilespmem:$0xE080] =	vst v63  }
0x94: {  	s18 =	rddreg [dreg:$0x16]  }
0x95: {  	[tilespmem:s12], [sflag:$0x2] =	stream.linear.gather [hbm4b:s18+s12], $0x4000, $0x38;
	[tilespmem:$0xE080] =	vst v63  }
0x96: {  	_ =	swait.ge [sflag:s8], $0x400  }
0x97: {  	[sflag:s8] =	ssyncset.done $0x0  }
0x98: {  	[sflag:s8] =	ssyncadd.s32 $0xFFFFFC00  }
0x99: {  	_ =	swait.ge [sflag:s9], $0x4000  }
0x9a: {  	[sflag:s9] =	ssyncset.done $0x0  }
0x9b: {  	[sflag:s9] =	ssyncadd.s32 $0xFFFFC000  }
0x9c: {  	[spmem:s23] =	stream.indirect.scatter.add.f32 [tilespmem:s4], [sflag:$0x5], $0x10, s3, s7, $0xb8;
	[tilespmem:$0xE080] =	vst v63  }
0x9d: {  	_ =	swait.ge [sflag:s0], $0x4000  }
0x9e: {  	[sflag:s0] =	ssyncset.done $0x0  }
0x9f: {  	s19 =	rddreg [dreg:$0x10];
	[sflag:s0] =	ssyncadd.s32 $0xFFFFC000  }
0xa0: {  	[tilespmem:s3], [sflag:$0x3] =	stream.linear.gather [hbm4b:s19+s12], $0x400, $0x38;
	[tilespmem:$0xE080] =	vst v63  }
0xa1: {  	s22 =	rddreg [dreg:$0x17]  }
0xa2: {  	[tilespmem:s4], [sflag:$0x4] =	stream.linear.gather [hbm4b:s22+s12], $0x4000, $0x38;
	[tilespmem:$0xE080] =	vst v63  }
0xa3: {  	_ =	swait.ge [sflag:s5], $0x400  }
0xa4: {  	[sflag:s5] =	ssyncset.done $0x0  }
0xa5: {  	[sflag:s5] =	ssyncadd.s32 $0xFFFFFC00  }
0xa6: {  	_ =	swait.ge [sflag:s6], $0x4000  }
0xa7: {  	[sflag:s6] =	ssyncset.done $0x0  }
0xa8: {  	[sflag:s6] =	ssyncadd.s32 $0xFFFFC000  }
0xa9: {  	[spmem:s23] =	stream.indirect.scatter.add.f32 [tilespmem:s12], [sflag:$0x5], $0x10, s2, s7, $0xb8;
	[tilespmem:$0xE080] =	vst v63  }
0xaa: {  	_ =	swait.ge [sflag:s0], $0x4000  }
0xab: {  	[sflag:s0] =	ssyncset.done $0x0  }
0xac: {  	s25 =	rddreg [dreg:$0x11];
	[sflag:s0] =	ssyncadd.s32 $0xFFFFC000  }
0xad: {  	[tilespmem:s2], [sflag:$0x1] =	stream.linear.gather [hbm4b:s25+s12], $0x400, $0x38;
	[tilespmem:$0xE080] =	vst v63  }
0xae: {  	s26 =	rddreg [dreg:$0x18]  }
0xaf: {  	[tilespmem:s12], [sflag:$0x2] =	stream.linear.gather [hbm4b:s26+s12], $0x4000, $0x38;
	[tilespmem:$0xE080] =	vst v63  }
0xb0: {  	_ =	swait.ge [sflag:s8], $0x400  }
0xb1: {  	[sflag:s8] =	ssyncset.done $0x0  }
0xb2: {  	[sflag:s8] =	ssyncadd.s32 $0xFFFFFC00  }
0xb3: {  	_ =	swait.ge [sflag:s9], $0x4000  }
0xb4: {  	[sflag:s9] =	ssyncset.done $0x0  }
0xb5: {  	[sflag:s9] =	ssyncadd.s32 $0xFFFFC000  }
0xb6: {  	[spmem:s23] =	stream.indirect.scatter.add.f32 [tilespmem:s4], [sflag:$0x5], $0x10, s3, s7, $0xb8;
	[tilespmem:$0xE080] =	vst v63  }
0xb7: {  	_ =	swait.ge [sflag:s0], $0x4000  }
0xb8: {  	[sflag:s0] =	ssyncset.done $0x0  }
0xb9: {  	s16 =	rddreg [dreg:$0x12];
	[sflag:s0] =	ssyncadd.s32 $0xFFFFC000  }
0xba: {  	[tilespmem:s3], [sflag:$0x3] =	stream.linear.gather [hbm4b:s16+s12], $0x388, $0x38;
	[tilespmem:$0xE080] =	vst v63  }
0xbb: {  	_ = 	snop  }
0xbc: {  	[tilespmem:s4], [sflag:$0x4] =	stream.linear.gather [hbm4b:s24+s12], $0x3880, $0x38;
	[tilespmem:$0xE080] =	vst v63  }
0xbd: {  	_ =	swait.ge [sflag:s5], $0x400  }
0xbe: {  	[sflag:s5] =	ssyncset.done $0x0  }
0xbf: {  	[sflag:s5] =	ssyncadd.s32 $0xFFFFFC00  }
0xc0: {  	_ =	swait.ge [sflag:s6], $0x4000  }
0xc1: {  	[sflag:s6] =	ssyncset.done $0x0  }
0xc2: {  	[sflag:s6] =	ssyncadd.s32 $0xFFFFC000  }
0xc3: {  	[spmem:s23] =	stream.indirect.scatter.add.f32 [tilespmem:s12], [sflag:$0x5], $0x10, s2, s7, $0xb8;
	[tilespmem:$0xE080] =	vst v63  }
0xc4: {  	_ =	swait.ge [sflag:s0], $0x4000  }
0xc5: {  	[sflag:s0] =	ssyncset.done $0x0  }
0xc6: {  	[sflag:s0] =	ssyncadd.s32 $0xFFFFC000  }
0xc7: {  	_ =	swait.ge [sflag:s8], $0x388  }
0xc8: {  	[sflag:s8] =	ssyncset.done $0x0  }
0xc9: {  	[sflag:s8] =	ssyncadd.s32 $0xFFFFFC78  }
0xca: {  	_ =	swait.ge [sflag:s9], $0x3880  }
0xcb: {  	[sflag:s9] =	ssyncset.done $0x0  }
0xcc: {  	[sflag:s9] =	ssyncadd.s32 $0xFFFFC780  }
0xcd: {  	[spmem:s23] =	stream.indirect.scatter.add.f32 [tilespmem:s4], [sflag:$0x5], $0x10, s3, s10, $0xb8;
	[tilespmem:$0xE080] =	vst v63  }
0xce: {  	_ =	swait.ge [sflag:s0], $0x3880  }
0xcf: {  	[sflag:s0] =	ssyncset.done $0x0  }
0xd0: {  	s17 =	sadd.s32 $0x0, s29;
	[sflag:s0] =	ssyncadd.s32 $0xFFFFC780  }
0xd1: {  	v2 =	vor.u32 s17, v1;
	s16 =	sadd.s32 $0x20, s17;
	[bflag:$0x0] =	sbarrier.arrive $0xFFFF  }
0xd2: {  	s18 =	sadd.s32 $0x10, s17;
	v3 =	vor.u32 s16, v1;
	[tilespmem:$0x8800] =	vst v2  }
0xd3: {  	s25 =	sadd.s32 $0x40, s17;
	v2 =	vor.u32 s18, v1;
	[tilespmem:$0x8820] =	vst v3  }
0xd4: {  	s19 =	sadd.s32 $0x70, s17;
	v3 =	vor.u32 s25, v1;
	[tilespmem:$0x8810] =	vst v2  }
0xd5: {  	s12 =	sadd.s32 $0x60, s17;
	v2 =	vor.u32 s19, v1;
	[tilespmem:$0x8840] =	vst v3  }
0xd6: {  	s22 =	sadd.s32 $0x50, s17;
	v3 =	vor.u32 s12, v1;
	[tilespmem:$0x8870] =	vst v2  }
0xd7: {  	s26 =	sadd.s32 $0x30, s17;
	v2 =	vor.u32 s22, v1;
	[tilespmem:$0x8860] =	vst v3  }
0xd8: {  	[tilespmem:$0x8850] =	vst v2;
	v2 =	vor.u32 s26, v1  }
0xd9: {  	[tilespmem:$0x8830] =	vst v2  }
0xda: {  	[tilespmem:s20], [sflag:$0x5] =	stream.indirect.gather [spmem:s21], $0x10, s31, s30, $0xb8;
	[tilespmem:$0xE080] =	vst v63  }
0xdb: {  	_ =	swait.ge [sflag:s0], $0x800  }
0xdc: {  	[sflag:s0] =	ssyncset.done $0x0  }
0xdd: {  	[sflag:s0] =	ssyncadd.s32 $0xFFFFF800  }
0xde: {  	[hbm4b:s15+s1] =	stream.linear.scatter [tilespmem:s20], [sflag:$0x5], $0x800, $0x38;
	[tilespmem:$0xE080] =	vst v63  }
0xdf: {  	_ =	swait.ge [sflag:s0], $0x800  }
0xe0: {  	s13 =	smov.u32 s14;
	s25 =	smov.u32 s14;
	[sflag:s0] =	ssyncset.done $0x0  }
0xe1: {  	s12 =	simm.s32 $0x80;
	s26 =	smov.u32 s15;
	[sflag:s0] =	ssyncadd.s32 $0xFFFFF800  }
0xe2: {  	[tilespmem:s20], [sflag:$0x5] =	stream.indirect.gather [spmem:s23], $0x10, s31, s30, $0xb8;
	[tilespmem:$0xE080] =	vst v63  }
.LBB2_6:
0xe3: {  	_ =	swait.ge [sflag:s0], $0x800  }
0xe4: {  	s25 =	sadd.s32 $0x100, s25;
	s26 =	sadd.s32 $0x100, s26;
	s16 =	smov.u32 s12  }
0xe5: {  	p0 =	sne.s32 s12, $0x200;
	s12 =	sadd.s32 $0x80, s12;
	[sflag:s0] =	ssyncset.done $0x0  }
0xe6: {  	[sflag:s0] =	ssyncadd.s32 $0xFFFFF800  }
0xe7: {  	[hbm4b:s13+s1] =	stream.linear.scatter [tilespmem:s20], [sflag:$0x5], $0x800, $0x38;
	[tilespmem:$0xE080] =	vst v63  }
0xe8: {  	s13 =	smov.u32 s25;
	_ =	swait.ge [sflag:s0], $0x800  }
0xe9: {  	s16 =	sadd.s32 s16, s29;
	[sflag:s0] =	ssyncset.done $0x0  }
0xea: {  	v2 =	vor.u32 s16, v1;
	s17 =	sadd.s32 $0x10, s16;
	s18 =	sadd.s32 $0x20, s16;
	[sflag:s0] =	ssyncadd.s32 $0xFFFFF800  }
0xeb: {  	s19 =	sadd.s32 $0x70, s16;
	v3 =	vor.u32 s18, v1;
	s18 =	sadd.s32 $0x50, s16;
	[tilespmem:$0x8800] =	vst v2;
	v2 =	vor.u32 s17, v1;
	s17 =	sadd.s32 $0x40, s16  }
0xec: {  	s22 =	sadd.s32 $0x30, s16;
	v5 =	vor.u32 s19, v1;
	v4 =	vor.u32 s18, v1;
	s16 =	sadd.s32 $0x60, s16;
	[tilespmem:$0x8810] =	vst v2;
	v2 =	vor.u32 s17, v1  }
0xed: {  	v6 =	vor.u32 s22, v1;
	v7 =	vor.u32 s16, v1;
	[tilespmem:$0x8870] =	vst v5  }
0xee: {  	[tilespmem:$0x8820] =	vst v3  }
0xef: {  	[tilespmem:$0x8850] =	vst v4  }
0xf0: {  	[tilespmem:$0x8840] =	vst v2  }
0xf1: {  	[tilespmem:$0x8830] =	vst v6  }
0xf2: {  	[tilespmem:$0x8860] =	vst v7  }
0xf3: {  	[tilespmem:s20], [sflag:$0x5] =	stream.indirect.gather [spmem:s21], $0x10, s31, s30, $0xb8;
	[tilespmem:$0xE080] =	vst v63  }
0xf4: {  	_ =	swait.ge [sflag:s0], $0x800  }
0xf5: {  	[sflag:s0] =	ssyncset.done $0x0  }
0xf6: {  	[sflag:s0] =	ssyncadd.s32 $0xFFFFF800  }
0xf7: {  	[hbm4b:s26+s1] =	stream.linear.scatter [tilespmem:s20], [sflag:$0x5], $0x800, $0x38;
	[tilespmem:$0xE080] =	vst v63  }
.Ltmp2:
0xf8: {  	_ = 	snop;
	(pc) =	sbr.rel @p0 .LBB2_6-.Ltmp2, $4  }
0xf9: {  	_ =	swait.ge [sflag:s0], $0x800  }
0xfa: {  	[sflag:s0] =	ssyncset.done $0x0  }
0xfb: {  	[sflag:s0] =	ssyncadd.s32 $0xFFFFF800  }
0xfc: {  	[tilespmem:s20], [sflag:$0x5] =	stream.indirect.gather [spmem:s23], $0x10, s31, s30, $0xb8;
	[tilespmem:$0xE080] =	vst v63  }
0xfd: {  	_ =	swait.ge [sflag:s0], $0x800;
	s11 =	sadd.s32 $0x1, s11  }
0xfe: {  	[sflag:s0] =	ssyncset.done $0x0;
	p0 =	sne.s32 s11, s28  }
.Ltmp3:
0xff: {  	[sflag:s0] =	ssyncadd.s32 $0xFFFFF800;
	(pc) =	sbr.rel @p0 .LBB2_1-.Ltmp3, $4  }
0x100: {  	[hbm4b:s13+s1] =	stream.linear.scatter [tilespmem:s20], [sflag:$0x5], $0x800, $0x38;
	[tilespmem:$0xE080] =	vst v63  }
0x101: {  	_ =	swait.ge [sflag:s0], $0x800  }
0x102: {  	[sflag:s0] =	ssyncset.done $0x0  }
0x103: {  	[sflag:s0] =	ssyncadd.s32 $0xFFFFF800  }
0x104: {  	_ =	sfence.sel $0x180000  }
0x105: {  	[bflag:$0x0] =	sbarrier.arrive $0xFFFF  }
0x106: {  	_ =	strace $0x90000047  }
0x107: {  	s0 =	stileid.u32;
	[bflag:$0x2] =	sbarrier.arrive $0xFFFF  }
0x108: {  	p0 =	sne.s32 s0, $0x0;
	s0 =	rddreg [dreg:$0x5]  }
0x109: {  	s0 =	sadd.s32 @!p0 $0x100000, s0  }
0x10a: {  	[sflag:s0] =	ssyncadd.tile.s32 @!p0 $0x1;
	_ =	shalt  }
.Lfunc_end2:
_tile_overlayer_lowered:
.L_overlay_start_2:
0x10b: {  	(tag) =	ssettag $0x2  }
0x10c: {  	s0 =	rddreg [dreg:$0x0];
	s2 =	stileid.u32  }
0x10d: {  	s1 =	rddreg [dreg:$0x1];
	p0 =	sne.s32 s2, $0x0  }
0x10e: {  	s3 =	rddreg [dreg:$0x2];
	[bflag:$0x3] =	sbarrier.arrive $0xFFFF;
	s2 =	simm.s32 @!p0 $0x1C05  }
0x10f: {  	[timem:s3], [sflag:s2] =	dma.local @!p0 [hbm:s0], s1  }
0x110: {  	s0 =	simm.s32 @!p0 $0x5  }
0x111: {  	_ =	swait.ge @!p0 [sflag:s0], s1  }
0x112: {  	s1 =	ssub.s32 @!p0 $0x0, s1;
	[sflag:s0] =	ssyncset.done @!p0 $0x0  }
0x113: {  	[sflag:s0] =	ssyncadd.s32 @!p0 s1  }
0x114: {  	[bflag:$0x3] =	sbarrier.arrive $0xFFFF  }
0x115: {  	_ =	shalt  }

</sc_bundles>
